<compile_context>
chip_gen: v7x
topology: tpu7x:2x2x1
jax: 0.10.2.dev20260603
libtpu: 0.0.44.dev20260713+nightly
codegen_flags: <defaults>
</compile_context>

<pallas_src>
import jax
import jax.numpy as jnp
from jax import lax
from jax.experimental import pallas as pl
from jax.experimental.pallas import tpu as pltpu
from jax.experimental.pallas import tpu_sc as plsc

N_NODES = 10000
N_EDGES = 320000
D = 128

NC = 2
NS = 16
CHUNK = 128
NCHUNK = 80
IDX_BLK = 16
NSLAB = NCHUNK // IDX_BLK
EDGES_PER_TILE = CHUNK * NCHUNK
PADDED_E = NC * NS * EDGES_PER_TILE
N_SP = 10240
ROWS_PER_TILE = N_SP // NS
TRASH_ROW = N_NODES


def _sc_agg_kernel_body(table_hbm, src_hbm, dst_hbm, out_hbm,
                        src_v, dst_v, rows_a, rows_b, agg_sp,
                        sem_a, sem_b, sem_sa, sem_sb):
    c = lax.axis_index("c")
    s = lax.axis_index("s")

    def _zero_row(i, carry):
        for j in range(D // 16):
            rows_a[i, pl.ds(j * 16, 16)] = jnp.zeros((16,), jnp.float32)
        return carry

    lax.fori_loop(0, CHUNK, _zero_row, 0)
    for k in range(ROWS_PER_TILE // CHUNK):
        pltpu.sync_copy(rows_a, agg_sp.at[pl.ds(s * ROWS_PER_TILE + k * CHUNK, CHUNK)])

    plsc.subcore_barrier()

    def _slab(sl, carry):
        pltpu.sync_copy(src_hbm.at[c, s, sl], src_v)
        pltpu.sync_copy(dst_hbm.at[c, s, sl], dst_v)
        pltpu.async_copy(table_hbm.at[src_v.at[0]], rows_a, sem_a)

        def _body(jj, carry2):
            j0 = jj * 2
            pltpu.async_copy(table_hbm.at[src_v.at[j0 + 1]], rows_b, sem_b)
            pltpu.make_async_copy(table_hbm.at[src_v.at[j0]], rows_a, sem_a).wait()
            pltpu.sync_copy(rows_a, agg_sp.at[dst_v.at[j0]], add=True)

            @pl.when(j0 + 2 < IDX_BLK)
            def _():
                pltpu.async_copy(table_hbm.at[src_v.at[j0 + 2]], rows_a, sem_a)

            pltpu.make_async_copy(table_hbm.at[src_v.at[j0 + 1]], rows_b, sem_b).wait()
            pltpu.sync_copy(rows_b, agg_sp.at[dst_v.at[j0 + 1]], add=True)
            return carry2

        lax.fori_loop(0, IDX_BLK // 2, _body, 0)
        return carry

    lax.fori_loop(0, NSLAB, _slab, 0)

    plsc.subcore_barrier()
    pltpu.sync_copy(agg_sp.at[pl.ds(s * ROWS_PER_TILE, ROWS_PER_TILE)],
                    out_hbm.at[c, pl.ds(s * ROWS_PER_TILE, ROWS_PER_TILE)])


def _sc_aggregate(table, src_p, dst_p):
    mesh = plsc.VectorSubcoreMesh(core_axis_name="c", subcore_axis_name="s")
    fn = pl.kernel(
        _sc_agg_kernel_body,
        out_type=jax.ShapeDtypeStruct((NC, N_SP, D), jnp.float32),
        mesh=mesh,
        scratch_types=[
            pltpu.VMEM((IDX_BLK, CHUNK), jnp.int32),
            pltpu.VMEM((IDX_BLK, CHUNK), jnp.int32),
            pltpu.VMEM((CHUNK, D), jnp.float32),
            pltpu.VMEM((CHUNK, D), jnp.float32),
            pltpu.VMEM_SHARED((N_SP, D), jnp.float32),
            pltpu.SemaphoreType.DMA,
            pltpu.SemaphoreType.DMA,
            pltpu.SemaphoreType.DMA,
            pltpu.SemaphoreType.DMA,
        ],
    )
    return fn(table, src_p, dst_p)


def _tc_stage1_body(x_ref, agg_ref, w_ref, b_ref, g_ref, beta_ref, out_ref):
    agg = agg_ref[0, :N_NODES, :] + agg_ref[1, :N_NODES, :]
    h = x_ref[...] + agg
    h = lax.dot_general(h, w_ref[...], (((1,), (1,)), ((), ())),
                        preferred_element_type=jnp.float32)
    h = h + b_ref[...]
    mu = jnp.mean(h, axis=0, keepdims=True)
    var = jnp.mean((h - mu) ** 2, axis=0, keepdims=True)
    hn = (h - mu) * lax.rsqrt(var + 1e-5) * g_ref[...] + beta_ref[...]
    out_ref[...] = jnp.maximum(hn, 0.0)


def _tc_stage2_body(x_ref, agg_ref, w_ref, b_ref, g_ref, beta_ref, out_ref):
    agg = agg_ref[0, :N_NODES, :] + agg_ref[1, :N_NODES, :]
    h = x_ref[...] + agg
    h = lax.dot_general(h, w_ref[...], (((1,), (1,)), ((), ())),
                        preferred_element_type=jnp.float32)
    h = h + b_ref[...]
    mu = jnp.mean(h, axis=0, keepdims=True)
    var = jnp.mean((h - mu) ** 2, axis=0, keepdims=True)
    hn = (h - mu) * lax.rsqrt(var + 1e-5) * g_ref[...] + beta_ref[...]
    m = jnp.max(hn, axis=1, keepdims=True)
    lse = jnp.log(jnp.sum(jnp.exp(hn - m), axis=1, keepdims=True)) + m
    out_ref[...] = hn - lse


def _tc_stage(body, x, agg, w, b, g, beta):
    return pl.pallas_call(
        body,
        out_shape=jax.ShapeDtypeStruct((N_NODES, D), jnp.float32),
    )(x, agg, w, b.reshape(1, D), g.reshape(1, D), beta.reshape(1, D))


def kernel(x, edge_index, W1, b1, W2, b2,
           bn1_gamma, bn1_beta, bn2_gamma, bn2_beta):
    src = edge_index[0].astype(jnp.int32)
    dst = edge_index[1].astype(jnp.int32)
    pad = PADDED_E - N_EDGES
    src_p = jnp.concatenate([src, jnp.zeros((pad,), jnp.int32)]
                            ).reshape(NC, NS, NSLAB, IDX_BLK, CHUNK)
    dst_p = jnp.concatenate([dst, jnp.full((pad,), TRASH_ROW, jnp.int32)]
                            ).reshape(NC, NS, NSLAB, IDX_BLK, CHUNK)

    agg1 = _sc_aggregate(x, src_p, dst_p)
    h1 = _tc_stage(_tc_stage1_body, x, agg1, W1, b1, bn1_gamma, bn1_beta)
    agg2 = _sc_aggregate(h1, src_p, dst_p)
    out = _tc_stage(_tc_stage2_body, h1, agg2, W2, b2, bn2_gamma, bn2_beta)
    return out

# --- scband reference (transcript-rebuilt; emitter-appended) ---
"""Pipeline reference for scband-gin-2-bn-77558519431975 (READ-ONLY COPY).

The authoritative reference and input builder live on the scoring server;
editing this copy changes nothing except your own understanding.
"""

import jax, jax.numpy as jnp
import numpy as np

N_NODES = 10000
N_EDGES = 320000
D_IN = 128
D_HID = 128
D_OUT = 128


def setup_inputs(seed: int = 0) -> dict:
    key = jax.random.key(seed)
    k_x, k_e, k_w1, k_w2 = jax.random.split(key, 4)
    x = jax.random.normal(k_x, (N_NODES, D_IN), dtype=jnp.float32)
    edge_index = jax.random.randint(k_e, (2, N_EDGES), 0, N_NODES, dtype=jnp.int64)
    s1 = 1.0 / np.sqrt(D_IN)
    s2 = 1.0 / np.sqrt(D_HID)
    W1 = jax.random.uniform(k_w1, (D_HID, D_IN), minval=-s1, maxval=s1, dtype=jnp.float32)
    b1 = jnp.zeros((D_HID,), dtype=jnp.float32)
    W2 = jax.random.uniform(k_w2, (D_OUT, D_HID), minval=-s2, maxval=s2, dtype=jnp.float32)
    b2 = jnp.zeros((D_OUT,), dtype=jnp.float32)
    bn1_gamma = jnp.ones((D_HID,), dtype=jnp.float32)
    bn1_beta = jnp.zeros((D_HID,), dtype=jnp.float32)
    bn2_gamma = jnp.ones((D_OUT,), dtype=jnp.float32)
    bn2_beta = jnp.zeros((D_OUT,), dtype=jnp.float32)
    return {"x": x, "edge_index": edge_index, "W1": W1, "b1": b1, "W2": W2, "b2": b2,
            "bn1_gamma": bn1_gamma, "bn1_beta": bn1_beta, "bn2_gamma": bn2_gamma, "bn2_beta": bn2_beta}


def _gin_conv(x, edge_index, W, b, eps=0.0):
    # GINConv: out = Linear((1 + eps) * x + sum_{j in N(i)} x_j)
    src = edge_index[0]
    dst = edge_index[1]
    msgs = jnp.take(x, src, axis=0)
    agg = jax.ops.segment_sum(msgs, dst, num_segments=x.shape[0])
    h = (1.0 + eps) * x + agg
    return h @ W.T + b


def _batch_norm(x, gamma, beta, eps=1e-5):
    # BatchNorm1d with batch statistics (training-mode normalization)
    mean = jnp.mean(x, axis=0)
    var = jnp.var(x, axis=0)
    return (x - mean) / jnp.sqrt(var + eps) * gamma + beta


def reference(x, edge_index, W1, b1, W2, b2, bn1_gamma, bn1_beta, bn2_gamma, bn2_beta):
    h = _gin_conv(x, edge_index, W1, b1)
    h = jax.nn.relu(_batch_norm(h, bn1_gamma, bn1_beta))
    h = _gin_conv(h, edge_index, W2, b2)
    h = _batch_norm(h, bn2_gamma, bn2_beta)
    # dropout treated as identity for deterministic reference
    return jax.nn.log_softmax(h, axis=1)

if __name__ == "__main__":
    import jax
    _d = setup_inputs()
    print(jax.jit(kernel)(*tuple(_d.values())))

</pallas_src>

<mosaic_0001>
#map = affine_map<(d0, d1) -> (0, 0)>
#map1 = affine_map<(d0, d1) -> (0, 0, 0, 0, 0)>
#map2 = affine_map<(d0, d1) -> (0, 0, 0)>
module attributes {stable_mosaic.version = 14 : i64} {
  func.func @_sc_agg_kernel_body(%arg0: i32, %arg1: i32, %arg2: memref<10000x128xf32, #tpu.memory_space<hbm>>, %arg3: memref<2x16x5x16x128xi32, #tpu.memory_space<hbm>>, %arg4: memref<2x16x5x16x128xi32, #tpu.memory_space<hbm>>, %arg5: memref<2x10240x128xf32, #tpu.memory_space<hbm>>, %arg6: memref<16x128xi32, #tpu.memory_space<vmem>>, %arg7: memref<16x128xi32, #tpu.memory_space<vmem>>, %arg8: memref<128x128xf32, #tpu.memory_space<vmem>>, %arg9: memref<128x128xf32, #tpu.memory_space<vmem>>, %arg10: memref<10240x128xf32, #tpu.memory_space<vmem_shared>>, %arg11: memref<!tpu.dma_semaphore, #tpu.memory_space<semaphore_mem>>, %arg12: memref<!tpu.dma_semaphore, #tpu.memory_space<semaphore_mem>>, %arg13: memref<!tpu.dma_semaphore, #tpu.memory_space<semaphore_mem>>, %arg14: memref<!tpu.dma_semaphore, #tpu.memory_space<semaphore_mem>>) attributes {dimension_semantics = [#tpu.dimension_semantics<core_parallel>, #tpu.dimension_semantics<subcore_parallel>], iteration_bounds = array<i64: 2, 16>, scalar_prefetch = 0 : i64, scratch_operands = 9 : i64, tpu.core_type = #tpu.core_type<sc_vector_subcore>, window_params = [{transform_indices = #map}, {transform_indices = #map1}, {transform_indices = #map1}, {transform_indices = #map2}]} {
    %scan3A = arith.constant 0 : i32
    %scan3A_0 = arith.constant 0 : i32
    %scan3A_1 = arith.constant 128 : i32
    %scan3A_2 = arith.addi %scan3A_0, %scan3A_1 : i32
    %scan3A_3 = arith.constant 1 : i32
    scf.for %scan3A_34 = %scan3A_0 to %scan3A_2 step %scan3A_3  : i32 {
      %broadcast_in_dim3A = arith.constant 0.000000e+00 : f32
      %broadcast_in_dim3A_35 = vector.broadcast %broadcast_in_dim3A : f32 to vector<16xf32>
      %swap3A = arith.index_cast %scan3A_34 : i32 to index
      %swap3A_36 = arith.constant 0 : index
      %swap3A_37 = tpu.vector_load %arg8[%swap3A, %swap3A_36] {strides = array<i32>} : memref<128x128xf32, #tpu.memory_space<vmem>>, vector<1x16xf32>,
      %swap3A_38 = vector.shape_cast %swap3A_37 : vector<1x16xf32> to vector<16xf32>
      %swap3A_39 = vector.shape_cast %broadcast_in_dim3A_35 : vector<16xf32> to vector<1x16xf32>
      tpu.vector_store %arg8[%swap3A, %swap3A_36], %swap3A_39 {strides = array<i32>} : memref<128x128xf32, #tpu.memory_space<vmem>>, vector<1x16xf32>,
      %broadcast_in_dim3A_40 = arith.constant 0.000000e+00 : f32
      %broadcast_in_dim3A_41 = vector.broadcast %broadcast_in_dim3A_40 : f32 to vector<16xf32>
      %swap3A_42 = arith.index_cast %scan3A_34 : i32 to index
      %swap3A_43 = arith.constant 16 : index
      %swap3A_44 = tpu.vector_load %arg8[%swap3A_42, %swap3A_43] {strides = array<i32>} : memref<128x128xf32, #tpu.memory_space<vmem>>, vector<1x16xf32>,
      %swap3A_45 = vector.shape_cast %swap3A_44 : vector<1x16xf32> to vector<16xf32>
      %swap3A_46 = vector.shape_cast %broadcast_in_dim3A_41 : vector<16xf32> to vector<1x16xf32>
      tpu.vector_store %arg8[%swap3A_42, %swap3A_43], %swap3A_46 {strides = array<i32>} : memref<128x128xf32, #tpu.memory_space<vmem>>, vector<1x16xf32>,
      %broadcast_in_dim3A_47 = arith.constant 0.000000e+00 : f32
      %broadcast_in_dim3A_48 = vector.broadcast %broadcast_in_dim3A_47 : f32 to vector<16xf32>
      %swap3A_49 = arith.index_cast %scan3A_34 : i32 to index
      %swap3A_50 = arith.constant 32 : index
      %swap3A_51 = tpu.vector_load %arg8[%swap3A_49, %swap3A_50] {strides = array<i32>} : memref<128x128xf32, #tpu.memory_space<vmem>>, vector<1x16xf32>,
      %swap3A_52 = vector.shape_cast %swap3A_51 : vector<1x16xf32> to vector<16xf32>
      %swap3A_53 = vector.shape_cast %broadcast_in_dim3A_48 : vector<16xf32> to vector<1x16xf32>
      tpu.vector_store %arg8[%swap3A_49, %swap3A_50], %swap3A_53 {strides = array<i32>} : memref<128x128xf32, #tpu.memory_space<vmem>>, vector<1x16xf32>,
      %broadcast_in_dim3A_54 = arith.constant 0.000000e+00 : f32
      %broadcast_in_dim3A_55 = vector.broadcast %broadcast_in_dim3A_54 : f32 to vector<16xf32>
      %swap3A_56 = arith.index_cast %scan3A_34 : i32 to index
      %swap3A_57 = arith.constant 48 : index
      %swap3A_58 = tpu.vector_load %arg8[%swap3A_56, %swap3A_57] {strides = array<i32>} : memref<128x128xf32, #tpu.memory_space<vmem>>, vector<1x16xf32>,
      %swap3A_59 = vector.shape_cast %swap3A_58 : vector<1x16xf32> to vector<16xf32>
      %swap3A_60 = vector.shape_cast %broadcast_in_dim3A_55 : vector<16xf32> to vector<1x16xf32>
      tpu.vector_store %arg8[%swap3A_56, %swap3A_57], %swap3A_60 {strides = array<i32>} : memref<128x128xf32, #tpu.memory_space<vmem>>, vector<1x16xf32>,
      %broadcast_in_dim3A_61 = arith.constant 0.000000e+00 : f32
      %broadcast_in_dim3A_62 = vector.broadcast %broadcast_in_dim3A_61 : f32 to vector<16xf32>
      %swap3A_63 = arith.index_cast %scan3A_34 : i32 to index
      %swap3A_64 = arith.constant 64 : index
      %swap3A_65 = tpu.vector_load %arg8[%swap3A_63, %swap3A_64] {strides = array<i32>} : memref<128x128xf32, #tpu.memory_space<vmem>>, vector<1x16xf32>,
      %swap3A_66 = vector.shape_cast %swap3A_65 : vector<1x16xf32> to vector<16xf32>
      %swap3A_67 = vector.shape_cast %broadcast_in_dim3A_62 : vector<16xf32> to vector<1x16xf32>
      tpu.vector_store %arg8[%swap3A_63, %swap3A_64], %swap3A_67 {strides = array<i32>} : memref<128x128xf32, #tpu.memory_space<vmem>>, vector<1x16xf32>,
      %broadcast_in_dim3A_68 = arith.constant 0.000000e+00 : f32
      %broadcast_in_dim3A_69 = vector.broadcast %broadcast_in_dim3A_68 : f32 to vector<16xf32>
      %swap3A_70 = arith.index_cast %scan3A_34 : i32 to index
      %swap3A_71 = arith.constant 80 : index
      %swap3A_72 = tpu.vector_load %arg8[%swap3A_70, %swap3A_71] {strides = array<i32>} : memref<128x128xf32, #tpu.memory_space<vmem>>, vector<1x16xf32>,
      %swap3A_73 = vector.shape_cast %swap3A_72 : vector<1x16xf32> to vector<16xf32>
      %swap3A_74 = vector.shape_cast %broadcast_in_dim3A_69 : vector<16xf32> to vector<1x16xf32>
      tpu.vector_store %arg8[%swap3A_70, %swap3A_71], %swap3A_74 {strides = array<i32>} : memref<128x128xf32, #tpu.memory_space<vmem>>, vector<1x16xf32>,
      %broadcast_in_dim3A_75 = arith.constant 0.000000e+00 : f32
      %broadcast_in_dim3A_76 = vector.broadcast %broadcast_in_dim3A_75 : f32 to vector<16xf32>
      %swap3A_77 = arith.index_cast %scan3A_34 : i32 to index
      %swap3A_78 = arith.constant 96 : index
      %swap3A_79 = tpu.vector_load %arg8[%swap3A_77, %swap3A_78] {strides = array<i32>} : memref<128x128xf32, #tpu.memory_space<vmem>>, vector<1x16xf32>,
      %swap3A_80 = vector.shape_cast %swap3A_79 : vector<1x16xf32> to vector<16xf32>
      %swap3A_81 = vector.shape_cast %broadcast_in_dim3A_76 : vector<16xf32> to vector<1x16xf32>
      tpu.vector_store %arg8[%swap3A_77, %swap3A_78], %swap3A_81 {strides = array<i32>} : memref<128x128xf32, #tpu.memory_space<vmem>>, vector<1x16xf32>,
      %broadcast_in_dim3A_82 = arith.constant 0.000000e+00 : f32
      %broadcast_in_dim3A_83 = vector.broadcast %broadcast_in_dim3A_82 : f32 to vector<16xf32>
      %swap3A_84 = arith.index_cast %scan3A_34 : i32 to index
      %swap3A_85 = arith.constant 112 : index
      %swap3A_86 = tpu.vector_load %arg8[%swap3A_84, %swap3A_85] {strides = array<i32>} : memref<128x128xf32, #tpu.memory_space<vmem>>, vector<1x16xf32>,
      %swap3A_87 = vector.shape_cast %swap3A_86 : vector<1x16xf32> to vector<16xf32>
      %swap3A_88 = vector.shape_cast %broadcast_in_dim3A_83 : vector<16xf32> to vector<1x16xf32>
      tpu.vector_store %arg8[%swap3A_84, %swap3A_85], %swap3A_88 {strides = array<i32>} : memref<128x128xf32, #tpu.memory_space<vmem>>, vector<1x16xf32>,
    }
    %scan3A_4 = arith.constant 128 : i32
    %mul3A = arith.constant 640 : i32
    %mul3A_5 = arith.muli %arg1, %mul3A : i32
    %add3A = arith.constant 0 : i32
    %add3A_6 = arith.addi %mul3A_5, %add3A : i32
    "tpu.region"() ({
      %run_scoped3A = tpu.sem_alloc : memref<!tpu.dma_semaphore, #tpu.memory_space<semaphore_mem>>
      %dma_start3A = arith.constant 0 : i32
      %dma_start3A_34 = tpu.memref_slice %arg10[%add3A_6, %dma_start3A] : memref<10240x128xf32, #tpu.memory_space<vmem_shared>> -> memref<128x128xf32, #tpu.memory_space<vmem_shared>>
      %dma_start3A_35 = arith.constant 0 : i32
      %dma_start3A_36 = tpu.memref_slice %arg10[%add3A_6, %dma_start3A_35] : memref<10240x128xf32, #tpu.memory_space<vmem_shared>> -> memref<128x128xf32, #tpu.memory_space<vmem_shared>>
      tpu.enqueue_dma source(%arg8 : memref<128x128xf32, #tpu.memory_space<vmem>>) target(%dma_start3A_36 : memref<128x128xf32, #tpu.memory_space<vmem_shared>>) target_semaphore(%run_scoped3A : memref<!tpu.dma_semaphore, #tpu.memory_space<semaphore_mem>>)
      %dma_wait3A = arith.constant 0 : i32
      %dma_wait3A_37 = tpu.memref_slice %arg10[%add3A_6, %dma_wait3A] : memref<10240x128xf32, #tpu.memory_space<vmem_shared>> -> memref<128x128xf32, #tpu.memory_space<vmem_shared>>
      %dma_wait3A_38 = arith.constant 0 : i32
      %dma_wait3A_39 = tpu.memref_slice %arg10[%add3A_6, %dma_wait3A_38] : memref<10240x128xf32, #tpu.memory_space<vmem_shared>> -> memref<128x128xf32, #tpu.memory_space<vmem_shared>>
      tpu.wait_dma2 semaphore(%run_scoped3A : memref<!tpu.dma_semaphore, #tpu.memory_space<semaphore_mem>>) src(%arg8 : memref<128x128xf32, #tpu.memory_space<vmem>>) dst(%dma_wait3A_39 : memref<128x128xf32, #tpu.memory_space<vmem_shared>>)
      tpu.yield
    }) : () -> ()
    %mul3A_7 = arith.constant 640 : i32
    %mul3A_8 = arith.muli %arg1, %mul3A_7 : i32
    %add3A_9 = arith.constant 128 : i32
    %add3A_10 = arith.addi %mul3A_8, %add3A_9 : i32
    "tpu.region"() ({
      %run_scoped3A = tpu.sem_alloc : memref<!tpu.dma_semaphore, #tpu.memory_space<semaphore_mem>>
      %dma_start3A = arith.constant 0 : i32
      %dma_start3A_34 = tpu.memref_slice %arg10[%add3A_10, %dma_start3A] : memref<10240x128xf32, #tpu.memory_space<vmem_shared>> -> memref<128x128xf32, #tpu.memory_space<vmem_shared>>
      %dma_start3A_35 = arith.constant 0 : i32
      %dma_start3A_36 = tpu.memref_slice %arg10[%add3A_10, %dma_start3A_35] : memref<10240x128xf32, #tpu.memory_space<vmem_shared>> -> memref<128x128xf32, #tpu.memory_space<vmem_shared>>
      tpu.enqueue_dma source(%arg8 : memref<128x128xf32, #tpu.memory_space<vmem>>) target(%dma_start3A_36 : memref<128x128xf32, #tpu.memory_space<vmem_shared>>) target_semaphore(%run_scoped3A : memref<!tpu.dma_semaphore, #tpu.memory_space<semaphore_mem>>)
      %dma_wait3A = arith.constant 0 : i32
      %dma_wait3A_37 = tpu.memref_slice %arg10[%add3A_10, %dma_wait3A] : memref<10240x128xf32, #tpu.memory_space<vmem_shared>> -> memref<128x128xf32, #tpu.memory_space<vmem_shared>>
      %dma_wait3A_38 = arith.constant 0 : i32
      %dma_wait3A_39 = tpu.memref_slice %arg10[%add3A_10, %dma_wait3A_38] : memref<10240x128xf32, #tpu.memory_space<vmem_shared>> -> memref<128x128xf32, #tpu.memory_space<vmem_shared>>
      tpu.wait_dma2 semaphore(%run_scoped3A : memref<!tpu.dma_semaphore, #tpu.memory_space<semaphore_mem>>) src(%arg8 : memref<128x128xf32, #tpu.memory_space<vmem>>) dst(%dma_wait3A_39 : memref<128x128xf32, #tpu.memory_space<vmem_shared>>)
      tpu.yield
    }) : () -> ()
    %mul3A_11 = arith.constant 640 : i32
    %mul3A_12 = arith.muli %arg1, %mul3A_11 : i32
    %add3A_13 = arith.constant 256 : i32
    %add3A_14 = arith.addi %mul3A_12, %add3A_13 : i32
    "tpu.region"() ({
      %run_scoped3A = tpu.sem_alloc : memref<!tpu.dma_semaphore, #tpu.memory_space<semaphore_mem>>
      %dma_start3A = arith.constant 0 : i32
      %dma_start3A_34 = tpu.memref_slice %arg10[%add3A_14, %dma_start3A] : memref<10240x128xf32, #tpu.memory_space<vmem_shared>> -> memref<128x128xf32, #tpu.memory_space<vmem_shared>>
      %dma_start3A_35 = arith.constant 0 : i32
      %dma_start3A_36 = tpu.memref_slice %arg10[%add3A_14, %dma_start3A_35] : memref<10240x128xf32, #tpu.memory_space<vmem_shared>> -> memref<128x128xf32, #tpu.memory_space<vmem_shared>>
      tpu.enqueue_dma source(%arg8 : memref<128x128xf32, #tpu.memory_space<vmem>>) target(%dma_start3A_36 : memref<128x128xf32, #tpu.memory_space<vmem_shared>>) target_semaphore(%run_scoped3A : memref<!tpu.dma_semaphore, #tpu.memory_space<semaphore_mem>>)
      %dma_wait3A = arith.constant 0 : i32
      %dma_wait3A_37 = tpu.memref_slice %arg10[%add3A_14, %dma_wait3A] : memref<10240x128xf32, #tpu.memory_space<vmem_shared>> -> memref<128x128xf32, #tpu.memory_space<vmem_shared>>
      %dma_wait3A_38 = arith.constant 0 : i32
      %dma_wait3A_39 = tpu.memref_slice %arg10[%add3A_14, %dma_wait3A_38] : memref<10240x128xf32, #tpu.memory_space<vmem_shared>> -> memref<128x128xf32, #tpu.memory_space<vmem_shared>>
      tpu.wait_dma2 semaphore(%run_scoped3A : memref<!tpu.dma_semaphore, #tpu.memory_space<semaphore_mem>>) src(%arg8 : memref<128x128xf32, #tpu.memory_space<vmem>>) dst(%dma_wait3A_39 : memref<128x128xf32, #tpu.memory_space<vmem_shared>>)
      tpu.yield
    }) : () -> ()
    %mul3A_15 = arith.constant 640 : i32
    %mul3A_16 = arith.muli %arg1, %mul3A_15 : i32
    %add3A_17 = arith.constant 384 : i32
    %add3A_18 = arith.addi %mul3A_16, %add3A_17 : i32
    "tpu.region"() ({
      %run_scoped3A = tpu.sem_alloc : memref<!tpu.dma_semaphore, #tpu.memory_space<semaphore_mem>>
      %dma_start3A = arith.constant 0 : i32
      %dma_start3A_34 = tpu.memref_slice %arg10[%add3A_18, %dma_start3A] : memref<10240x128xf32, #tpu.memory_space<vmem_shared>> -> memref<128x128xf32, #tpu.memory_space<vmem_shared>>
      %dma_start3A_35 = arith.constant 0 : i32
      %dma_start3A_36 = tpu.memref_slice %arg10[%add3A_18, %dma_start3A_35] : memref<10240x128xf32, #tpu.memory_space<vmem_shared>> -> memref<128x128xf32, #tpu.memory_space<vmem_shared>>
      tpu.enqueue_dma source(%arg8 : memref<128x128xf32, #tpu.memory_space<vmem>>) target(%dma_start3A_36 : memref<128x128xf32, #tpu.memory_space<vmem_shared>>) target_semaphore(%run_scoped3A : memref<!tpu.dma_semaphore, #tpu.memory_space<semaphore_mem>>)
      %dma_wait3A = arith.constant 0 : i32
      %dma_wait3A_37 = tpu.memref_slice %arg10[%add3A_18, %dma_wait3A] : memref<10240x128xf32, #tpu.memory_space<vmem_shared>> -> memref<128x128xf32, #tpu.memory_space<vmem_shared>>
      %dma_wait3A_38 = arith.constant 0 : i32
      %dma_wait3A_39 = tpu.memref_slice %arg10[%add3A_18, %dma_wait3A_38] : memref<10240x128xf32, #tpu.memory_space<vmem_shared>> -> memref<128x128xf32, #tpu.memory_space<vmem_shared>>
      tpu.wait_dma2 semaphore(%run_scoped3A : memref<!tpu.dma_semaphore, #tpu.memory_space<semaphore_mem>>) src(%arg8 : memref<128x128xf32, #tpu.memory_space<vmem>>) dst(%dma_wait3A_39 : memref<128x128xf32, #tpu.memory_space<vmem_shared>>)
      tpu.yield
    }) : () -> ()
    %mul3A_19 = arith.constant 640 : i32
    %mul3A_20 = arith.muli %arg1, %mul3A_19 : i32
    %add3A_21 = arith.constant 512 : i32
    %add3A_22 = arith.addi %mul3A_20, %add3A_21 : i32
    "tpu.region"() ({
      %run_scoped3A = tpu.sem_alloc : memref<!tpu.dma_semaphore, #tpu.memory_space<semaphore_mem>>
      %dma_start3A = arith.constant 0 : i32
      %dma_start3A_34 = tpu.memref_slice %arg10[%add3A_22, %dma_start3A] : memref<10240x128xf32, #tpu.memory_space<vmem_shared>> -> memref<128x128xf32, #tpu.memory_space<vmem_shared>>
      %dma_start3A_35 = arith.constant 0 : i32
      %dma_start3A_36 = tpu.memref_slice %arg10[%add3A_22, %dma_start3A_35] : memref<10240x128xf32, #tpu.memory_space<vmem_shared>> -> memref<128x128xf32, #tpu.memory_space<vmem_shared>>
      tpu.enqueue_dma source(%arg8 : memref<128x128xf32, #tpu.memory_space<vmem>>) target(%dma_start3A_36 : memref<128x128xf32, #tpu.memory_space<vmem_shared>>) target_semaphore(%run_scoped3A : memref<!tpu.dma_semaphore, #tpu.memory_space<semaphore_mem>>)
      %dma_wait3A = arith.constant 0 : i32
      %dma_wait3A_37 = tpu.memref_slice %arg10[%add3A_22, %dma_wait3A] : memref<10240x128xf32, #tpu.memory_space<vmem_shared>> -> memref<128x128xf32, #tpu.memory_space<vmem_shared>>
      %dma_wait3A_38 = arith.constant 0 : i32
      %dma_wait3A_39 = tpu.memref_slice %arg10[%add3A_22, %dma_wait3A_38] : memref<10240x128xf32, #tpu.memory_space<vmem_shared>> -> memref<128x128xf32, #tpu.memory_space<vmem_shared>>
      tpu.wait_dma2 semaphore(%run_scoped3A : memref<!tpu.dma_semaphore, #tpu.memory_space<semaphore_mem>>) src(%arg8 : memref<128x128xf32, #tpu.memory_space<vmem>>) dst(%dma_wait3A_39 : memref<128x128xf32, #tpu.memory_space<vmem_shared>>)
      tpu.yield
    }) : () -> ()
    %barrier3A = arith.constant 0 : index
    tpu.barrier barrier_id(%barrier3A)
    %scan3A_23 = arith.constant 0 : i32
    %scan3A_24 = arith.constant 0 : i32
    %scan3A_25 = arith.constant 5 : i32
    %scan3A_26 = arith.addi %scan3A_24, %scan3A_25 : i32
    %scan3A_27 = arith.constant 1 : i32
    scf.for %scan3A_34 = %scan3A_24 to %scan3A_26 step %scan3A_27  : i32 {
      "tpu.region"() ({
        %run_scoped3A = tpu.sem_alloc : memref<!tpu.dma_semaphore, #tpu.memory_space<semaphore_mem>>
        %dma_start3A_47 = arith.constant 0 : i32
        %dma_start3A_48 = arith.constant 0 : i32
        %dma_start3A_49 = tpu.memref_slice %arg3[%arg0, %arg1, %scan3A_34, %dma_start3A_47, %dma_start3A_48] : memref<2x16x5x16x128xi32, #tpu.memory_space<hbm>> -> memref<1x1x1x16x128xi32, #tpu.memory_space<hbm>>
        %dma_start3A_50 = tpu.memref_squeeze %dma_start3A_49 : memref<1x1x1x16x128xi32, #tpu.memory_space<hbm>> -> memref<16x128xi32, #tpu.memory_space<hbm>>
        %dma_start3A_51 = arith.constant 0 : i32
        %dma_start3A_52 = arith.constant 0 : i32
        %dma_start3A_53 = tpu.memref_slice %arg3[%arg0, %arg1, %scan3A_34, %dma_start3A_51, %dma_start3A_52] : memref<2x16x5x16x128xi32, #tpu.memory_space<hbm>> -> memref<1x1x1x16x128xi32, #tpu.memory_space<hbm>>
        %dma_start3A_54 = tpu.memref_squeeze %dma_start3A_53 : memref<1x1x1x16x128xi32, #tpu.memory_space<hbm>> -> memref<16x128xi32, #tpu.memory_space<hbm>>
        tpu.enqueue_dma source(%dma_start3A_54 : memref<16x128xi32, #tpu.memory_space<hbm>>) target(%arg6 : memref<16x128xi32, #tpu.memory_space<vmem>>) target_semaphore(%run_scoped3A : memref<!tpu.dma_semaphore, #tpu.memory_space<semaphore_mem>>)
        %dma_wait3A = arith.constant 0 : i32
        %dma_wait3A_55 = arith.constant 0 : i32
        %dma_wait3A_56 = tpu.memref_slice %arg3[%arg0, %arg1, %scan3A_34, %dma_wait3A, %dma_wait3A_55] : memref<2x16x5x16x128xi32, #tpu.memory_space<hbm>> -> memref<1x1x1x16x128xi32, #tpu.memory_space<hbm>>
        %dma_wait3A_57 = tpu.memref_squeeze %dma_wait3A_56 : memref<1x1x1x16x128xi32, #tpu.memory_space<hbm>> -> memref<16x128xi32, #tpu.memory_space<hbm>>
        %dma_wait3A_58 = arith.constant 0 : i32
        %dma_wait3A_59 = arith.constant 0 : i32
        %dma_wait3A_60 = tpu.memref_slice %arg3[%arg0, %arg1, %scan3A_34, %dma_wait3A_58, %dma_wait3A_59] : memref<2x16x5x16x128xi32, #tpu.memory_space<hbm>> -> memref<1x1x1x16x128xi32, #tpu.memory_space<hbm>>
        %dma_wait3A_61 = tpu.memref_squeeze %dma_wait3A_60 : memref<1x1x1x16x128xi32, #tpu.memory_space<hbm>> -> memref<16x128xi32, #tpu.memory_space<hbm>>
        tpu.wait_dma2 semaphore(%run_scoped3A : memref<!tpu.dma_semaphore, #tpu.memory_space<semaphore_mem>>) src(%dma_wait3A_61 : memref<16x128xi32, #tpu.memory_space<hbm>>) dst(%arg6 : memref<16x128xi32, #tpu.memory_space<vmem>>)
        tpu.yield
      }) : () -> ()
      "tpu.region"() ({
        %run_scoped3A = tpu.sem_alloc : memref<!tpu.dma_semaphore, #tpu.memory_space<semaphore_mem>>
        %dma_start3A_47 = arith.constant 0 : i32
        %dma_start3A_48 = arith.constant 0 : i32
        %dma_start3A_49 = tpu.memref_slice %arg4[%arg0, %arg1, %scan3A_34, %dma_start3A_47, %dma_start3A_48] : memref<2x16x5x16x128xi32, #tpu.memory_space<hbm>> -> memref<1x1x1x16x128xi32, #tpu.memory_space<hbm>>
        %dma_start3A_50 = tpu.memref_squeeze %dma_start3A_49 : memref<1x1x1x16x128xi32, #tpu.memory_space<hbm>> -> memref<16x128xi32, #tpu.memory_space<hbm>>
        %dma_start3A_51 = arith.constant 0 : i32
        %dma_start3A_52 = arith.constant 0 : i32
        %dma_start3A_53 = tpu.memref_slice %arg4[%arg0, %arg1, %scan3A_34, %dma_start3A_51, %dma_start3A_52] : memref<2x16x5x16x128xi32, #tpu.memory_space<hbm>> -> memref<1x1x1x16x128xi32, #tpu.memory_space<hbm>>
        %dma_start3A_54 = tpu.memref_squeeze %dma_start3A_53 : memref<1x1x1x16x128xi32, #tpu.memory_space<hbm>> -> memref<16x128xi32, #tpu.memory_space<hbm>>
        tpu.enqueue_dma source(%dma_start3A_54 : memref<16x128xi32, #tpu.memory_space<hbm>>) target(%arg7 : memref<16x128xi32, #tpu.memory_space<vmem>>) target_semaphore(%run_scoped3A : memref<!tpu.dma_semaphore, #tpu.memory_space<semaphore_mem>>)
        %dma_wait3A = arith.constant 0 : i32
        %dma_wait3A_55 = arith.constant 0 : i32
        %dma_wait3A_56 = tpu.memref_slice %arg4[%arg0, %arg1, %scan3A_34, %dma_wait3A, %dma_wait3A_55] : memref<2x16x5x16x128xi32, #tpu.memory_space<hbm>> -> memref<1x1x1x16x128xi32, #tpu.memory_space<hbm>>
        %dma_wait3A_57 = tpu.memref_squeeze %dma_wait3A_56 : memref<1x1x1x16x128xi32, #tpu.memory_space<hbm>> -> memref<16x128xi32, #tpu.memory_space<hbm>>
        %dma_wait3A_58 = arith.constant 0 : i32
        %dma_wait3A_59 = arith.constant 0 : i32
        %dma_wait3A_60 = tpu.memref_slice %arg4[%arg0, %arg1, %scan3A_34, %dma_wait3A_58, %dma_wait3A_59] : memref<2x16x5x16x128xi32, #tpu.memory_space<hbm>> -> memref<1x1x1x16x128xi32, #tpu.memory_space<hbm>>
        %dma_wait3A_61 = tpu.memref_squeeze %dma_wait3A_60 : memref<1x1x1x16x128xi32, #tpu.memory_space<hbm>> -> memref<16x128xi32, #tpu.memory_space<hbm>>
        tpu.wait_dma2 semaphore(%run_scoped3A : memref<!tpu.dma_semaphore, #tpu.memory_space<semaphore_mem>>) src(%dma_wait3A_61 : memref<16x128xi32, #tpu.memory_space<hbm>>) dst(%arg7 : memref<16x128xi32, #tpu.memory_space<vmem>>)
        tpu.yield
      }) : () -> ()
      %dma_start3A = arith.constant 0 : i32
      %dma_start3A_35 = arith.constant 0 : i32
      %dma_start3A_36 = tpu.memref_slice %arg6[%dma_start3A, %dma_start3A_35] : memref<16x128xi32, #tpu.memory_space<vmem>> -> memref<1x128xi32, #tpu.memory_space<vmem>>
      %dma_start3A_37 = tpu.memref_squeeze %dma_start3A_36 : memref<1x128xi32, #tpu.memory_space<vmem>> -> memref<128xi32, #tpu.memory_space<vmem>>
      %dma_start3A_38 = arith.constant 0 : i32
      %dma_start3A_39 = arith.constant 0 : i32
      %dma_start3A_40 = tpu.memref_slice %arg2[%dma_start3A_38, %dma_start3A_39] : memref<10000x128xf32, #tpu.memory_space<hbm>> -> memref<10000x128xf32, #tpu.memory_space<hbm>>
      tpu.enqueue_indirect_dma source(%dma_start3A_40 : memref<10000x128xf32, #tpu.memory_space<hbm>>) target(%arg8 : memref<128x128xf32, #tpu.memory_space<vmem>>) offsets(%dma_start3A_37 : memref<128xi32, #tpu.memory_space<vmem>>) semaphore(%arg11 : memref<!tpu.dma_semaphore, #tpu.memory_space<semaphore_mem>>)
      %scan3A_41 = arith.constant 0 : i32
      %scan3A_42 = arith.constant 0 : i32
      %scan3A_43 = arith.constant 8 : i32
      %scan3A_44 = arith.addi %scan3A_42, %scan3A_43 : i32
      %scan3A_45 = arith.constant 1 : i32
      scf.for %scan3A_47 = %scan3A_42 to %scan3A_44 step %scan3A_45  : i32 {
        %mul3A_48 = arith.constant 2 : i32
        %mul3A_49 = arith.muli %scan3A_47, %mul3A_48 : i32
        %add3A_50 = arith.constant 1 : i32
        %add3A_51 = arith.addi %mul3A_49, %add3A_50 : i32
        %dma_start3A_52 = arith.constant 0 : i32
        %dma_start3A_53 = tpu.memref_slice %arg6[%add3A_51, %dma_start3A_52] : memref<16x128xi32, #tpu.memory_space<vmem>> -> memref<1x128xi32, #tpu.memory_space<vmem>>
        %dma_start3A_54 = tpu.memref_squeeze %dma_start3A_53 : memref<1x128xi32, #tpu.memory_space<vmem>> -> memref<128xi32, #tpu.memory_space<vmem>>
        %dma_start3A_55 = arith.constant 0 : i32
        %dma_start3A_56 = arith.constant 0 : i32
        %dma_start3A_57 = tpu.memref_slice %arg2[%dma_start3A_55, %dma_start3A_56] : memref<10000x128xf32, #tpu.memory_space<hbm>> -> memref<10000x128xf32, #tpu.memory_space<hbm>>
        tpu.enqueue_indirect_dma source(%dma_start3A_57 : memref<10000x128xf32, #tpu.memory_space<hbm>>) target(%arg9 : memref<128x128xf32, #tpu.memory_space<vmem>>) offsets(%dma_start3A_54 : memref<128xi32, #tpu.memory_space<vmem>>) semaphore(%arg12 : memref<!tpu.dma_semaphore, #tpu.memory_space<semaphore_mem>>)
        %dma_wait3A = arith.constant 0 : i32
        %dma_wait3A_58 = tpu.memref_slice %arg6[%mul3A_49, %dma_wait3A] : memref<16x128xi32, #tpu.memory_space<vmem>> -> memref<1x128xi32, #tpu.memory_space<vmem>>
        %dma_wait3A_59 = tpu.memref_squeeze %dma_wait3A_58 : memref<1x128xi32, #tpu.memory_space<vmem>> -> memref<128xi32, #tpu.memory_space<vmem>>
        %dma_wait3A_60 = arith.constant 0 : i32
        %dma_wait3A_61 = arith.constant 0 : i32
        %dma_wait3A_62 = tpu.memref_slice %arg2[%dma_wait3A_60, %dma_wait3A_61] : memref<10000x128xf32, #tpu.memory_space<hbm>> -> memref<10000x128xf32, #tpu.memory_space<hbm>>
        tpu.wait_indirect_dma semaphore(%arg11 : memref<!tpu.dma_semaphore, #tpu.memory_space<semaphore_mem>>) src(%dma_wait3A_62 : memref<10000x128xf32, #tpu.memory_space<hbm>>) dst(%arg8 : memref<128x128xf32, #tpu.memory_space<vmem>>)
        "tpu.region"() ({
          %run_scoped3A = tpu.sem_alloc : memref<!tpu.dma_semaphore, #tpu.memory_space<semaphore_mem>>
          %dma_start3A_77 = arith.constant 0 : i32
          %dma_start3A_78 = tpu.memref_slice %arg7[%mul3A_49, %dma_start3A_77] : memref<16x128xi32, #tpu.memory_space<vmem>> -> memref<1x128xi32, #tpu.memory_space<vmem>>
          %dma_start3A_79 = tpu.memref_squeeze %dma_start3A_78 : memref<1x128xi32, #tpu.memory_space<vmem>> -> memref<128xi32, #tpu.memory_space<vmem>>
          %dma_start3A_80 = arith.constant 0 : i32
          %dma_start3A_81 = arith.constant 0 : i32
          %dma_start3A_82 = tpu.memref_slice %arg10[%dma_start3A_80, %dma_start3A_81] : memref<10240x128xf32, #tpu.memory_space<vmem_shared>> -> memref<10240x128xf32, #tpu.memory_space<vmem_shared>>
          tpu.enqueue_indirect_dma source(%arg8 : memref<128x128xf32, #tpu.memory_space<vmem>>) target(%dma_start3A_82 : memref<10240x128xf32, #tpu.memory_space<vmem_shared>>) offsets(%dma_start3A_79 : memref<128xi32, #tpu.memory_space<vmem>>) semaphore(%run_scoped3A : memref<!tpu.dma_semaphore, #tpu.memory_space<semaphore_mem>>) {add = true}
          %dma_wait3A_83 = arith.constant 0 : i32
          %dma_wait3A_84 = tpu.memref_slice %arg7[%mul3A_49, %dma_wait3A_83] : memref<16x128xi32, #tpu.memory_space<vmem>> -> memref<1x128xi32, #tpu.memory_space<vmem>>
          %dma_wait3A_85 = tpu.memref_squeeze %dma_wait3A_84 : memref<1x128xi32, #tpu.memory_space<vmem>> -> memref<128xi32, #tpu.memory_space<vmem>>
          %dma_wait3A_86 = arith.constant 0 : i32
          %dma_wait3A_87 = arith.constant 0 : i32
          %dma_wait3A_88 = tpu.memref_slice %arg10[%dma_wait3A_86, %dma_wait3A_87] : memref<10240x128xf32, #tpu.memory_space<vmem_shared>> -> memref<10240x128xf32, #tpu.memory_space<vmem_shared>>
          tpu.wait_indirect_dma semaphore(%run_scoped3A : memref<!tpu.dma_semaphore, #tpu.memory_space<semaphore_mem>>) src(%arg8 : memref<128x128xf32, #tpu.memory_space<vmem>>) dst(%dma_wait3A_88 : memref<10240x128xf32, #tpu.memory_space<vmem_shared>>)
          tpu.yield
        }) : () -> ()
        %add3A_63 = arith.constant 2 : i32
        %add3A_64 = arith.addi %mul3A_49, %add3A_63 : i32
        %lt3A = arith.constant 16 : i32
        %lt3A_65 = arith.cmpi slt, %add3A_64, %lt3A : i32
        %convert_element_type3A = arith.extui %lt3A_65 : i1 to i32
        %cond3A = arith.constant 0 : i32
        %cond3A_66 = arith.cmpi ne, %convert_element_type3A, %cond3A : i32
        scf.if %cond3A_66 {
          %add3A_77 = arith.constant 2 : i32
          %add3A_78 = arith.addi %mul3A_49, %add3A_77 : i32
          %dma_start3A_79 = arith.constant 0 : i32
          %dma_start3A_80 = tpu.memref_slice %arg6[%add3A_78, %dma_start3A_79] : memref<16x128xi32, #tpu.memory_space<vmem>> -> memref<1x128xi32, #tpu.memory_space<vmem>>
          %dma_start3A_81 = tpu.memref_squeeze %dma_start3A_80 : memref<1x128xi32, #tpu.memory_space<vmem>> -> memref<128xi32, #tpu.memory_space<vmem>>
          %dma_start3A_82 = arith.constant 0 : i32
          %dma_start3A_83 = arith.constant 0 : i32
          %dma_start3A_84 = tpu.memref_slice %arg2[%dma_start3A_82, %dma_start3A_83] : memref<10000x128xf32, #tpu.memory_space<hbm>> -> memref<10000x128xf32, #tpu.memory_space<hbm>>
          tpu.enqueue_indirect_dma source(%dma_start3A_84 : memref<10000x128xf32, #tpu.memory_space<hbm>>) target(%arg8 : memref<128x128xf32, #tpu.memory_space<vmem>>) offsets(%dma_start3A_81 : memref<128xi32, #tpu.memory_space<vmem>>) semaphore(%arg11 : memref<!tpu.dma_semaphore, #tpu.memory_space<semaphore_mem>>)
        } else {
        }
        %add3A_67 = arith.constant 1 : i32
        %add3A_68 = arith.addi %mul3A_49, %add3A_67 : i32
        %dma_wait3A_69 = arith.constant 0 : i32
        %dma_wait3A_70 = tpu.memref_slice %arg6[%add3A_68, %dma_wait3A_69] : memref<16x128xi32, #tpu.memory_space<vmem>> -> memref<1x128xi32, #tpu.memory_space<vmem>>
        %dma_wait3A_71 = tpu.memref_squeeze %dma_wait3A_70 : memref<1x128xi32, #tpu.memory_space<vmem>> -> memref<128xi32, #tpu.memory_space<vmem>>
        %dma_wait3A_72 = arith.constant 0 : i32
        %dma_wait3A_73 = arith.constant 0 : i32
        %dma_wait3A_74 = tpu.memref_slice %arg2[%dma_wait3A_72, %dma_wait3A_73] : memref<10000x128xf32, #tpu.memory_space<hbm>> -> memref<10000x128xf32, #tpu.memory_space<hbm>>
        tpu.wait_indirect_dma semaphore(%arg12 : memref<!tpu.dma_semaphore, #tpu.memory_space<semaphore_mem>>) src(%dma_wait3A_74 : memref<10000x128xf32, #tpu.memory_space<hbm>>) dst(%arg9 : memref<128x128xf32, #tpu.memory_space<vmem>>)
        %add3A_75 = arith.constant 1 : i32
        %add3A_76 = arith.addi %mul3A_49, %add3A_75 : i32
        "tpu.region"() ({
          %run_scoped3A = tpu.sem_alloc : memref<!tpu.dma_semaphore, #tpu.memory_space<semaphore_mem>>
          %dma_start3A_77 = arith.constant 0 : i32
          %dma_start3A_78 = tpu.memref_slice %arg7[%add3A_76, %dma_start3A_77] : memref<16x128xi32, #tpu.memory_space<vmem>> -> memref<1x128xi32, #tpu.memory_space<vmem>>
          %dma_start3A_79 = tpu.memref_squeeze %dma_start3A_78 : memref<1x128xi32, #tpu.memory_space<vmem>> -> memref<128xi32, #tpu.memory_space<vmem>>
          %dma_start3A_80 = arith.constant 0 : i32
          %dma_start3A_81 = arith.constant 0 : i32
          %dma_start3A_82 = tpu.memref_slice %arg10[%dma_start3A_80, %dma_start3A_81] : memref<10240x128xf32, #tpu.memory_space<vmem_shared>> -> memref<10240x128xf32, #tpu.memory_space<vmem_shared>>
          tpu.enqueue_indirect_dma source(%arg9 : memref<128x128xf32, #tpu.memory_space<vmem>>) target(%dma_start3A_82 : memref<10240x128xf32, #tpu.memory_space<vmem_shared>>) offsets(%dma_start3A_79 : memref<128xi32, #tpu.memory_space<vmem>>) semaphore(%run_scoped3A : memref<!tpu.dma_semaphore, #tpu.memory_space<semaphore_mem>>) {add = true}
          %dma_wait3A_83 = arith.constant 0 : i32
          %dma_wait3A_84 = tpu.memref_slice %arg7[%add3A_76, %dma_wait3A_83] : memref<16x128xi32, #tpu.memory_space<vmem>> -> memref<1x128xi32, #tpu.memory_space<vmem>>
          %dma_wait3A_85 = tpu.memref_squeeze %dma_wait3A_84 : memref<1x128xi32, #tpu.memory_space<vmem>> -> memref<128xi32, #tpu.memory_space<vmem>>
          %dma_wait3A_86 = arith.constant 0 : i32
          %dma_wait3A_87 = arith.constant 0 : i32
          %dma_wait3A_88 = tpu.memref_slice %arg10[%dma_wait3A_86, %dma_wait3A_87] : memref<10240x128xf32, #tpu.memory_space<vmem_shared>> -> memref<10240x128xf32, #tpu.memory_space<vmem_shared>>
          tpu.wait_indirect_dma semaphore(%run_scoped3A : memref<!tpu.dma_semaphore, #tpu.memory_space<semaphore_mem>>) src(%arg9 : memref<128x128xf32, #tpu.memory_space<vmem>>) dst(%dma_wait3A_88 : memref<10240x128xf32, #tpu.memory_space<vmem_shared>>)
          tpu.yield
        }) : () -> ()
      }
      %scan3A_46 = arith.constant 8 : i32
    }
    %scan3A_28 = arith.constant 5 : i32
    %barrier3A_29 = arith.constant 0 : index
    tpu.barrier barrier_id(%barrier3A_29)
    %mul3A_30 = arith.constant 640 : i32
    %mul3A_31 = arith.muli %arg1, %mul3A_30 : i32
    %mul3A_32 = arith.constant 640 : i32
    %mul3A_33 = arith.muli %arg1, %mul3A_32 : i32
    "tpu.region"() ({
      %run_scoped3A = tpu.sem_alloc : memref<!tpu.dma_semaphore, #tpu.memory_space<semaphore_mem>>
      %dma_start3A = arith.constant 0 : i32
      %dma_start3A_34 = tpu.memref_slice %arg5[%arg0, %mul3A_33, %dma_start3A] : memref<2x10240x128xf32, #tpu.memory_space<hbm>> -> memref<1x640x128xf32, #tpu.memory_space<hbm>>
      %dma_start3A_35 = tpu.memref_squeeze %dma_start3A_34 : memref<1x640x128xf32, #tpu.memory_space<hbm>> -> memref<640x128xf32, #tpu.memory_space<hbm>>
      %dma_start3A_36 = arith.constant 0 : i32
      %dma_start3A_37 = tpu.memref_slice %arg10[%mul3A_31, %dma_start3A_36] : memref<10240x128xf32, #tpu.memory_space<vmem_shared>> -> memref<640x128xf32, #tpu.memory_space<vmem_shared>>
      tpu.enqueue_dma source(%dma_start3A_37 : memref<640x128xf32, #tpu.memory_space<vmem_shared>>) target(%dma_start3A_35 : memref<640x128xf32, #tpu.memory_space<hbm>>) target_semaphore(%run_scoped3A : memref<!tpu.dma_semaphore, #tpu.memory_space<semaphore_mem>>)
      %dma_wait3A = arith.constant 0 : i32
      %dma_wait3A_38 = tpu.memref_slice %arg5[%arg0, %mul3A_33, %dma_wait3A] : memref<2x10240x128xf32, #tpu.memory_space<hbm>> -> memref<1x640x128xf32, #tpu.memory_space<hbm>>
      %dma_wait3A_39 = tpu.memref_squeeze %dma_wait3A_38 : memref<1x640x128xf32, #tpu.memory_space<hbm>> -> memref<640x128xf32, #tpu.memory_space<hbm>>
      %dma_wait3A_40 = arith.constant 0 : i32
      %dma_wait3A_41 = tpu.memref_slice %arg10[%mul3A_31, %dma_wait3A_40] : memref<10240x128xf32, #tpu.memory_space<vmem_shared>> -> memref<640x128xf32, #tpu.memory_space<vmem_shared>>
      tpu.wait_dma2 semaphore(%run_scoped3A : memref<!tpu.dma_semaphore, #tpu.memory_space<semaphore_mem>>) src(%dma_wait3A_41 : memref<640x128xf32, #tpu.memory_space<vmem_shared>>) dst(%dma_wait3A_39 : memref<640x128xf32, #tpu.memory_space<hbm>>)
      tpu.yield
    }) : () -> ()
    return
  }
}

#map = affine_map<(d0, d1) -> (0, 0)>
#map1 = affine_map<(d0, d1) -> (0, 0, 0, 0, 0)>
#map2 = affine_map<(d0, d1) -> (0, 0, 0)>
module attributes {stable_mosaic.version = 14 : i64} {
  func.func @_sc_agg_kernel_body(%arg0: i32, %arg1: i32, %arg2: memref<10000x128xf32, #tpu.memory_space<hbm>>, %arg3: memref<2x16x5x16x128xi32, #tpu.memory_space<hbm>>, %arg4: memref<2x16x5x16x128xi32, #tpu.memory_space<hbm>>, %arg5: memref<2x10240x128xf32, #tpu.memory_space<hbm>>, %arg6: memref<16x128xi32, #tpu.memory_space<vmem>>, %arg7: memref<16x128xi32, #tpu.memory_space<vmem>>, %arg8: memref<128x128xf32, #tpu.memory_space<vmem>>, %arg9: memref<128x128xf32, #tpu.memory_space<vmem>>, %arg10: memref<10240x128xf32, #tpu.memory_space<vmem_shared>>, %arg11: memref<!tpu.dma_semaphore, #tpu.memory_space<semaphore_mem>>, %arg12: memref<!tpu.dma_semaphore, #tpu.memory_space<semaphore_mem>>, %arg13: memref<!tpu.dma_semaphore, #tpu.memory_space<semaphore_mem>>, %arg14: memref<!tpu.dma_semaphore, #tpu.memory_space<semaphore_mem>>) attributes {dimension_semantics = [#tpu.dimension_semantics<core_parallel>, #tpu.dimension_semantics<subcore_parallel>], iteration_bounds = array<i64: 2, 16>, scalar_prefetch = 0 : i64, scratch_operands = 9 : i64, tpu.core_type = #tpu.core_type<sc_vector_subcore>, window_params = [{transform_indices = #map}, {transform_indices = #map1}, {transform_indices = #map1}, {transform_indices = #map2}]} {
    %scan3A = arith.constant 0 : i32
    %scan3A_0 = arith.constant 0 : i32
    %scan3A_1 = arith.constant 128 : i32
    %scan3A_2 = arith.addi %scan3A_0, %scan3A_1 : i32
    %scan3A_3 = arith.constant 1 : i32
    scf.for %scan3A_34 = %scan3A_0 to %scan3A_2 step %scan3A_3  : i32 {
      %broadcast_in_dim3A = arith.constant 0.000000e+00 : f32
      %broadcast_in_dim3A_35 = vector.broadcast %broadcast_in_dim3A : f32 to vector<16xf32>
      %swap3A = arith.index_cast %scan3A_34 : i32 to index
      %swap3A_36 = arith.constant 0 : index
      %swap3A_37 = tpu.vector_load %arg8[%swap3A, %swap3A_36] {strides = array<i32>} : memref<128x128xf32, #tpu.memory_space<vmem>>, vector<1x16xf32>,
      %swap3A_38 = vector.shape_cast %swap3A_37 : vector<1x16xf32> to vector<16xf32>
      %swap3A_39 = vector.shape_cast %broadcast_in_dim3A_35 : vector<16xf32> to vector<1x16xf32>
      tpu.vector_store %arg8[%swap3A, %swap3A_36], %swap3A_39 {strides = array<i32>} : memref<128x128xf32, #tpu.memory_space<vmem>>, vector<1x16xf32>,
      %broadcast_in_dim3A_40 = arith.constant 0.000000e+00 : f32
      %broadcast_in_dim3A_41 = vector.broadcast %broadcast_in_dim3A_40 : f32 to vector<16xf32>
      %swap3A_42 = arith.index_cast %scan3A_34 : i32 to index
      %swap3A_43 = arith.constant 16 : index
      %swap3A_44 = tpu.vector_load %arg8[%swap3A_42, %swap3A_43] {strides = array<i32>} : memref<128x128xf32, #tpu.memory_space<vmem>>, vector<1x16xf32>,
      %swap3A_45 = vector.shape_cast %swap3A_44 : vector<1x16xf32> to vector<16xf32>
      %swap3A_46 = vector.shape_cast %broadcast_in_dim3A_41 : vector<16xf32> to vector<1x16xf32>
      tpu.vector_store %arg8[%swap3A_42, %swap3A_43], %swap3A_46 {strides = array<i32>} : memref<128x128xf32, #tpu.memory_space<vmem>>, vector<1x16xf32>,
      %broadcast_in_dim3A_47 = arith.constant 0.000000e+00 : f32
      %broadcast_in_dim3A_48 = vector.broadcast %broadcast_in_dim3A_47 : f32 to vector<16xf32>
      %swap3A_49 = arith.index_cast %scan3A_34 : i32 to index
      %swap3A_50 = arith.constant 32 : index
      %swap3A_51 = tpu.vector_load %arg8[%swap3A_49, %swap3A_50] {strides = array<i32>} : memref<128x128xf32, #tpu.memory_space<vmem>>, vector<1x16xf32>,
      %swap3A_52 = vector.shape_cast %swap3A_51 : vector<1x16xf32> to vector<16xf32>
      %swap3A_53 = vector.shape_cast %broadcast_in_dim3A_48 : vector<16xf32> to vector<1x16xf32>
      tpu.vector_store %arg8[%swap3A_49, %swap3A_50], %swap3A_53 {strides = array<i32>} : memref<128x128xf32, #tpu.memory_space<vmem>>, vector<1x16xf32>,
      %broadcast_in_dim3A_54 = arith.constant 0.000000e+00 : f32
      %broadcast_in_dim3A_55 = vector.broadcast %broadcast_in_dim3A_54 : f32 to vector<16xf32>
      %swap3A_56 = arith.index_cast %scan3A_34 : i32 to index
      %swap3A_57 = arith.constant 48 : index
      %swap3A_58 = tpu.vector_load %arg8[%swap3A_56, %swap3A_57] {strides = array<i32>} : memref<128x128xf32, #tpu.memory_space<vmem>>, vector<1x16xf32>,
      %swap3A_59 = vector.shape_cast %swap3A_58 : vector<1x16xf32> to vector<16xf32>
      %swap3A_60 = vector.shape_cast %broadcast_in_dim3A_55 : vector<16xf32> to vector<1x16xf32>
      tpu.vector_store %arg8[%swap3A_56, %swap3A_57], %swap3A_60 {strides = array<i32>} : memref<128x128xf32, #tpu.memory_space<vmem>>, vector<1x16xf32>,
      %broadcast_in_dim3A_61 = arith.constant 0.000000e+00 : f32
      %broadcast_in_dim3A_62 = vector.broadcast %broadcast_in_dim3A_61 : f32 to vector<16xf32>
      %swap3A_63 = arith.index_cast %scan3A_34 : i32 to index
      %swap3A_64 = arith.constant 64 : index
      %swap3A_65 = tpu.vector_load %arg8[%swap3A_63, %swap3A_64] {strides = array<i32>} : memref<128x128xf32, #tpu.memory_space<vmem>>, vector<1x16xf32>,
      %swap3A_66 = vector.shape_cast %swap3A_65 : vector<1x16xf32> to vector<16xf32>
      %swap3A_67 = vector.shape_cast %broadcast_in_dim3A_62 : vector<16xf32> to vector<1x16xf32>
      tpu.vector_store %arg8[%swap3A_63, %swap3A_64], %swap3A_67 {strides = array<i32>} : memref<128x128xf32, #tpu.memory_space<vmem>>, vector<1x16xf32>,
      %broadcast_in_dim3A_68 = arith.constant 0.000000e+00 : f32
      %broadcast_in_dim3A_69 = vector.broadcast %broadcast_in_dim3A_68 : f32 to vector<16xf32>
      %swap3A_70 = arith.index_cast %scan3A_34 : i32 to index
      %swap3A_71 = arith.constant 80 : index
      %swap3A_72 = tpu.vector_load %arg8[%swap3A_70, %swap3A_71] {strides = array<i32>} : memref<128x128xf32, #tpu.memory_space<vmem>>, vector<1x16xf32>,
      %swap3A_73 = vector.shape_cast %swap3A_72 : vector<1x16xf32> to vector<16xf32>
      %swap3A_74 = vector.shape_cast %broadcast_in_dim3A_69 : vector<16xf32> to vector<1x16xf32>
      tpu.vector_store %arg8[%swap3A_70, %swap3A_71], %swap3A_74 {strides = array<i32>} : memref<128x128xf32, #tpu.memory_space<vmem>>, vector<1x16xf32>,
      %broadcast_in_dim3A_75 = arith.constant 0.000000e+00 : f32
      %broadcast_in_dim3A_76 = vector.broadcast %broadcast_in_dim3A_75 : f32 to vector<16xf32>
      %swap3A_77 = arith.index_cast %scan3A_34 : i32 to index
      %swap3A_78 = arith.constant 96 : index
      %swap3A_79 = tpu.vector_load %arg8[%swap3A_77, %swap3A_78] {strides = array<i32>} : memref<128x128xf32, #tpu.memory_space<vmem>>, vector<1x16xf32>,
      %swap3A_80 = vector.shape_cast %swap3A_79 : vector<1x16xf32> to vector<16xf32>
      %swap3A_81 = vector.shape_cast %broadcast_in_dim3A_76 : vector<16xf32> to vector<1x16xf32>
      tpu.vector_store %arg8[%swap3A_77, %swap3A_78], %swap3A_81 {strides = array<i32>} : memref<128x128xf32, #tpu.memory_space<vmem>>, vector<1x16xf32>,
      %broadcast_in_dim3A_82 = arith.constant 0.000000e+00 : f32
      %broadcast_in_dim3A_83 = vector.broadcast %broadcast_in_dim3A_82 : f32 to vector<16xf32>
      %swap3A_84 = arith.index_cast %scan3A_34 : i32 to index
      %swap3A_85 = arith.constant 112 : index
      %swap3A_86 = tpu.vector_load %arg8[%swap3A_84, %swap3A_85] {strides = array<i32>} : memref<128x128xf32, #tpu.memory_space<vmem>>, vector<1x16xf32>,
      %swap3A_87 = vector.shape_cast %swap3A_86 : vector<1x16xf32> to vector<16xf32>
      %swap3A_88 = vector.shape_cast %broadcast_in_dim3A_83 : vector<16xf32> to vector<1x16xf32>
      tpu.vector_store %arg8[%swap3A_84, %swap3A_85], %swap3A_88 {strides = array<i32>} : memref<128x128xf32, #tpu.memory_space<vmem>>, vector<1x16xf32>,
    }
    %scan3A_4 = arith.constant 128 : i32
    %mul3A = arith.constant 640 : i32
    %mul3A_5 = arith.muli %arg1, %mul3A : i32
    %add3A = arith.constant 0 : i32
    %add3A_6 = arith.addi %mul3A_5, %add3A : i32
    "tpu.region"() ({
      %run_scoped3A = tpu.sem_alloc : memref<!tpu.dma_semaphore, #tpu.memory_space<semaphore_mem>>
      %dma_start3A = arith.constant 0 : i32
      %dma_start3A_34 = tpu.memref_slice %arg10[%add3A_6, %dma_start3A] : memref<10240x128xf32, #tpu.memory_space<vmem_shared>> -> memref<128x128xf32, #tpu.memory_space<vmem_shared>>
      %dma_start3A_35 = arith.constant 0 : i32
      %dma_start3A_36 = tpu.memref_slice %arg10[%add3A_6, %dma_start3A_35] : memref<10240x128xf32, #tpu.memory_space<vmem_shared>> -> memref<128x128xf32, #tpu.memory_space<vmem_shared>>
      tpu.enqueue_dma source(%arg8 : memref<128x128xf32, #tpu.memory_space<vmem>>) target(%dma_start3A_36 : memref<128x128xf32, #tpu.memory_space<vmem_shared>>) target_semaphore(%run_scoped3A : memref<!tpu.dma_semaphore, #tpu.memory_space<semaphore_mem>>)
      %dma_wait3A = arith.constant 0 : i32
      %dma_wait3A_37 = tpu.memref_slice %arg10[%add3A_6, %dma_wait3A] : memref<10240x128xf32, #tpu.memory_space<vmem_shared>> -> memref<128x128xf32, #tpu.memory_space<vmem_shared>>
      %dma_wait3A_38 = arith.constant 0 : i32
      %dma_wait3A_39 = tpu.memref_slice %arg10[%add3A_6, %dma_wait3A_38] : memref<10240x128xf32, #tpu.memory_space<vmem_shared>> -> memref<128x128xf32, #tpu.memory_space<vmem_shared>>
      tpu.wait_dma2 semaphore(%run_scoped3A : memref<!tpu.dma_semaphore, #tpu.memory_space<semaphore_mem>>) src(%arg8 : memref<128x128xf32, #tpu.memory_space<vmem>>) dst(%dma_wait3A_39 : memref<128x128xf32, #tpu.memory_space<vmem_shared>>)
      tpu.yield
    }) : () -> ()
    %mul3A_7 = arith.constant 640 : i32
    %mul3A_8 = arith.muli %arg1, %mul3A_7 : i32
    %add3A_9 = arith.constant 128 : i32
    %add3A_10 = arith.addi %mul3A_8, %add3A_9 : i32
    "tpu.region"() ({
      %run_scoped3A = tpu.sem_alloc : memref<!tpu.dma_semaphore, #tpu.memory_space<semaphore_mem>>
      %dma_start3A = arith.constant 0 : i32
      %dma_start3A_34 = tpu.memref_slice %arg10[%add3A_10, %dma_start3A] : memref<10240x128xf32, #tpu.memory_space<vmem_shared>> -> memref<128x128xf32, #tpu.memory_space<vmem_shared>>
      %dma_start3A_35 = arith.constant 0 : i32
      %dma_start3A_36 = tpu.memref_slice %arg10[%add3A_10, %dma_start3A_35] : memref<10240x128xf32, #tpu.memory_space<vmem_shared>> -> memref<128x128xf32, #tpu.memory_space<vmem_shared>>
      tpu.enqueue_dma source(%arg8 : memref<128x128xf32, #tpu.memory_space<vmem>>) target(%dma_start3A_36 : memref<128x128xf32, #tpu.memory_space<vmem_shared>>) target_semaphore(%run_scoped3A : memref<!tpu.dma_semaphore, #tpu.memory_space<semaphore_mem>>)
      %dma_wait3A = arith.constant 0 : i32
      %dma_wait3A_37 = tpu.memref_slice %arg10[%add3A_10, %dma_wait3A] : memref<10240x128xf32, #tpu.memory_space<vmem_shared>> -> memref<128x128xf32, #tpu.memory_space<vmem_shared>>
      %dma_wait3A_38 = arith.constant 0 : i32
      %dma_wait3A_39 = tpu.memref_slice %arg10[%add3A_10, %dma_wait3A_38] : memref<10240x128xf32, #tpu.memory_space<vmem_shared>> -> memref<128x128xf32, #tpu.memory_space<vmem_shared>>
      tpu.wait_dma2 semaphore(%run_scoped3A : memref<!tpu.dma_semaphore, #tpu.memory_space<semaphore_mem>>) src(%arg8 : memref<128x128xf32, #tpu.memory_space<vmem>>) dst(%dma_wait3A_39 : memref<128x128xf32, #tpu.memory_space<vmem_shared>>)
      tpu.yield
    }) : () -> ()
    %mul3A_11 = arith.constant 640 : i32
    %mul3A_12 = arith.muli %arg1, %mul3A_11 : i32
    %add3A_13 = arith.constant 256 : i32
    %add3A_14 = arith.addi %mul3A_12, %add3A_13 : i32
    "tpu.region"() ({
      %run_scoped3A = tpu.sem_alloc : memref<!tpu.dma_semaphore, #tpu.memory_space<semaphore_mem>>
      %dma_start3A = arith.constant 0 : i32
      %dma_start3A_34 = tpu.memref_slice %arg10[%add3A_14, %dma_start3A] : memref<10240x128xf32, #tpu.memory_space<vmem_shared>> -> memref<128x128xf32, #tpu.memory_space<vmem_shared>>
      %dma_start3A_35 = arith.constant 0 : i32
      %dma_start3A_36 = tpu.memref_slice %arg10[%add3A_14, %dma_start3A_35] : memref<10240x128xf32, #tpu.memory_space<vmem_shared>> -> memref<128x128xf32, #tpu.memory_space<vmem_shared>>
      tpu.enqueue_dma source(%arg8 : memref<128x128xf32, #tpu.memory_space<vmem>>) target(%dma_start3A_36 : memref<128x128xf32, #tpu.memory_space<vmem_shared>>) target_semaphore(%run_scoped3A : memref<!tpu.dma_semaphore, #tpu.memory_space<semaphore_mem>>)
      %dma_wait3A = arith.constant 0 : i32
      %dma_wait3A_37 = tpu.memref_slice %arg10[%add3A_14, %dma_wait3A] : memref<10240x128xf32, #tpu.memory_space<vmem_shared>> -> memref<128x128xf32, #tpu.memory_space<vmem_shared>>
      %dma_wait3A_38 = arith.constant 0 : i32
      %dma_wait3A_39 = tpu.memref_slice %arg10[%add3A_14, %dma_wait3A_38] : memref<10240x128xf32, #tpu.memory_space<vmem_shared>> -> memref<128x128xf32, #tpu.memory_space<vmem_shared>>
      tpu.wait_dma2 semaphore(%run_scoped3A : memref<!tpu.dma_semaphore, #tpu.memory_space<semaphore_mem>>) src(%arg8 : memref<128x128xf32, #tpu.memory_space<vmem>>) dst(%dma_wait3A_39 : memref<128x128xf32, #tpu.memory_space<vmem_shared>>)
      tpu.yield
    }) : () -> ()
    %mul3A_15 = arith.constant 640 : i32
    %mul3A_16 = arith.muli %arg1, %mul3A_15 : i32
    %add3A_17 = arith.constant 384 : i32
    %add3A_18 = arith.addi %mul3A_16, %add3A_17 : i32
    "tpu.region"() ({
      %run_scoped3A = tpu.sem_alloc : memref<!tpu.dma_semaphore, #tpu.memory_space<semaphore_mem>>
      %dma_start3A = arith.constant 0 : i32
      %dma_start3A_34 = tpu.memref_slice %arg10[%add3A_18, %dma_start3A] : memref<10240x128xf32, #tpu.memory_space<vmem_shared>> -> memref<128x128xf32, #tpu.memory_space<vmem_shared>>
      %dma_start3A_35 = arith.constant 0 : i32
      %dma_start3A_36 = tpu.memref_slice %arg10[%add3A_18, %dma_start3A_35] : memref<10240x128xf32, #tpu.memory_space<vmem_shared>> -> memref<128x128xf32, #tpu.memory_space<vmem_shared>>
      tpu.enqueue_dma source(%arg8 : memref<128x128xf32, #tpu.memory_space<vmem>>) target(%dma_start3A_36 : memref<128x128xf32, #tpu.memory_space<vmem_shared>>) target_semaphore(%run_scoped3A : memref<!tpu.dma_semaphore, #tpu.memory_space<semaphore_mem>>)
      %dma_wait3A = arith.constant 0 : i32
      %dma_wait3A_37 = tpu.memref_slice %arg10[%add3A_18, %dma_wait3A] : memref<10240x128xf32, #tpu.memory_space<vmem_shared>> -> memref<128x128xf32, #tpu.memory_space<vmem_shared>>
      %dma_wait3A_38 = arith.constant 0 : i32
      %dma_wait3A_39 = tpu.memref_slice %arg10[%add3A_18, %dma_wait3A_38] : memref<10240x128xf32, #tpu.memory_space<vmem_shared>> -> memref<128x128xf32, #tpu.memory_space<vmem_shared>>
      tpu.wait_dma2 semaphore(%run_scoped3A : memref<!tpu.dma_semaphore, #tpu.memory_space<semaphore_mem>>) src(%arg8 : memref<128x128xf32, #tpu.memory_space<vmem>>) dst(%dma_wait3A_39 : memref<128x128xf32, #tpu.memory_space<vmem_shared>>)
      tpu.yield
    }) : () -> ()
    %mul3A_19 = arith.constant 640 : i32
    %mul3A_20 = arith.muli %arg1, %mul3A_19 : i32
    %add3A_21 = arith.constant 512 : i32
    %add3A_22 = arith.addi %mul3A_20, %add3A_21 : i32
    "tpu.region"() ({
      %run_scoped3A = tpu.sem_alloc : memref<!tpu.dma_semaphore, #tpu.memory_space<semaphore_mem>>
      %dma_start3A = arith.constant 0 : i32
      %dma_start3A_34 = tpu.memref_slice %arg10[%add3A_22, %dma_start3A] : memref<10240x128xf32, #tpu.memory_space<vmem_shared>> -> memref<128x128xf32, #tpu.memory_space<vmem_shared>>
      %dma_start3A_35 = arith.constant 0 : i32
      %dma_start3A_36 = tpu.memref_slice %arg10[%add3A_22, %dma_start3A_35] : memref<10240x128xf32, #tpu.memory_space<vmem_shared>> -> memref<128x128xf32, #tpu.memory_space<vmem_shared>>
      tpu.enqueue_dma source(%arg8 : memref<128x128xf32, #tpu.memory_space<vmem>>) target(%dma_start3A_36 : memref<128x128xf32, #tpu.memory_space<vmem_shared>>) target_semaphore(%run_scoped3A : memref<!tpu.dma_semaphore, #tpu.memory_space<semaphore_mem>>)
      %dma_wait3A = arith.constant 0 : i32
      %dma_wait3A_37 = tpu.memref_slice %arg10[%add3A_22, %dma_wait3A] : memref<10240x128xf32, #tpu.memory_space<vmem_shared>> -> memref<128x128xf32, #tpu.memory_space<vmem_shared>>
      %dma_wait3A_38 = arith.constant 0 : i32
      %dma_wait3A_39 = tpu.memref_slice %arg10[%add3A_22, %dma_wait3A_38] : memref<10240x128xf32, #tpu.memory_space<vmem_shared>> -> memref<128x128xf32, #tpu.memory_space<vmem_shared>>
      tpu.wait_dma2 semaphore(%run_scoped3A : memref<!tpu.dma_semaphore, #tpu.memory_space<semaphore_mem>>) src(%arg8 : memref<128x128xf32, #tpu.memory_space<vmem>>) dst(%dma_wait3A_39 : memref<128x128xf32, #tpu.memory_space<vmem_shared>>)
      tpu.yield
    }) : () -> ()
    %barrier3A = arith.constant 0 : index
    tpu.barrier barrier_id(%barrier3A)
    %scan3A_23 = arith.constant 0 : i32
    %scan3A_24 = arith.constant 0 : i32
    %scan3A_25 = arith.constant 5 : i32
    %scan3A_26 = arith.addi %scan3A_24, %scan3A_25 : i32
    %scan3A_27 = arith.constant 1 : i32
    scf.for %scan3A_34 = %scan3A_24 to %scan3A_26 step %scan3A_27  : i32 {
      "tpu.region"() ({
        %run_scoped3A = tpu.sem_alloc : memref<!tpu.dma_semaphore, #tpu.memory_space<semaphore_mem>>
        %dma_start3A_47 = arith.constant 0 : i32
        %dma_start3A_48 = arith.constant 0 : i32
        %dma_start3A_49 = tpu.memref_slice %arg3[%arg0, %arg1, %scan3A_34, %dma_start3A_47, %dma_start3A_48] : memref<2x16x5x16x128xi32, #tpu.memory_space<hbm>> -> memref<1x1x1x16x128xi32, #tpu.memory_space<hbm>>
        %dma_start3A_50 = tpu.memref_squeeze %dma_start3A_49 : memref<1x1x1x16x128xi32, #tpu.memory_space<hbm>> -> memref<16x128xi32, #tpu.memory_space<hbm>>
        %dma_start3A_51 = arith.constant 0 : i32
        %dma_start3A_52 = arith.constant 0 : i32
        %dma_start3A_53 = tpu.memref_slice %arg3[%arg0, %arg1, %scan3A_34, %dma_start3A_51, %dma_start3A_52] : memref<2x16x5x16x128xi32, #tpu.memory_space<hbm>> -> memref<1x1x1x16x128xi32, #tpu.memory_space<hbm>>
        %dma_start3A_54 = tpu.memref_squeeze %dma_start3A_53 : memref<1x1x1x16x128xi32, #tpu.memory_space<hbm>> -> memref<16x128xi32, #tpu.memory_space<hbm>>
        tpu.enqueue_dma source(%dma_start3A_54 : memref<16x128xi32, #tpu.memory_space<hbm>>) target(%arg6 : memref<16x128xi32, #tpu.memory_space<vmem>>) target_semaphore(%run_scoped3A : memref<!tpu.dma_semaphore, #tpu.memory_space<semaphore_mem>>)
        %dma_wait3A = arith.constant 0 : i32
        %dma_wait3A_55 = arith.constant 0 : i32
        %dma_wait3A_56 = tpu.memref_slice %arg3[%arg0, %arg1, %scan3A_34, %dma_wait3A, %dma_wait3A_55] : memref<2x16x5x16x128xi32, #tpu.memory_space<hbm>> -> memref<1x1x1x16x128xi32, #tpu.memory_space<hbm>>
        %dma_wait3A_57 = tpu.memref_squeeze %dma_wait3A_56 : memref<1x1x1x16x128xi32, #tpu.memory_space<hbm>> -> memref<16x128xi32, #tpu.memory_space<hbm>>
        %dma_wait3A_58 = arith.constant 0 : i32
        %dma_wait3A_59 = arith.constant 0 : i32
        %dma_wait3A_60 = tpu.memref_slice %arg3[%arg0, %arg1, %scan3A_34, %dma_wait3A_58, %dma_wait3A_59] : memref<2x16x5x16x128xi32, #tpu.memory_space<hbm>> -> memref<1x1x1x16x128xi32, #tpu.memory_space<hbm>>
        %dma_wait3A_61 = tpu.memref_squeeze %dma_wait3A_60 : memref<1x1x1x16x128xi32, #tpu.memory_space<hbm>> -> memref<16x128xi32, #tpu.memory_space<hbm>>
        tpu.wait_dma2 semaphore(%run_scoped3A : memref<!tpu.dma_semaphore, #tpu.memory_space<semaphore_mem>>) src(%dma_wait3A_61 : memref<16x128xi32, #tpu.memory_space<hbm>>) dst(%arg6 : memref<16x128xi32, #tpu.memory_space<vmem>>)
        tpu.yield
      }) : () -> ()
      "tpu.region"() ({
        %run_scoped3A = tpu.sem_alloc : memref<!tpu.dma_semaphore, #tpu.memory_space<semaphore_mem>>
        %dma_start3A_47 = arith.constant 0 : i32
        %dma_start3A_48 = arith.constant 0 : i32
        %dma_start3A_49 = tpu.memref_slice %arg4[%arg0, %arg1, %scan3A_34, %dma_start3A_47, %dma_start3A_48] : memref<2x16x5x16x128xi32, #tpu.memory_space<hbm>> -> memref<1x1x1x16x128xi32, #tpu.memory_space<hbm>>
        %dma_start3A_50 = tpu.memref_squeeze %dma_start3A_49 : memref<1x1x1x16x128xi32, #tpu.memory_space<hbm>> -> memref<16x128xi32, #tpu.memory_space<hbm>>
        %dma_start3A_51 = arith.constant 0 : i32
        %dma_start3A_52 = arith.constant 0 : i32
        %dma_start3A_53 = tpu.memref_slice %arg4[%arg0, %arg1, %scan3A_34, %dma_start3A_51, %dma_start3A_52] : memref<2x16x5x16x128xi32, #tpu.memory_space<hbm>> -> memref<1x1x1x16x128xi32, #tpu.memory_space<hbm>>
        %dma_start3A_54 = tpu.memref_squeeze %dma_start3A_53 : memref<1x1x1x16x128xi32, #tpu.memory_space<hbm>> -> memref<16x128xi32, #tpu.memory_space<hbm>>
        tpu.enqueue_dma source(%dma_start3A_54 : memref<16x128xi32, #tpu.memory_space<hbm>>) target(%arg7 : memref<16x128xi32, #tpu.memory_space<vmem>>) target_semaphore(%run_scoped3A : memref<!tpu.dma_semaphore, #tpu.memory_space<semaphore_mem>>)
        %dma_wait3A = arith.constant 0 : i32
        %dma_wait3A_55 = arith.constant 0 : i32
        %dma_wait3A_56 = tpu.memref_slice %arg4[%arg0, %arg1, %scan3A_34, %dma_wait3A, %dma_wait3A_55] : memref<2x16x5x16x128xi32, #tpu.memory_space<hbm>> -> memref<1x1x1x16x128xi32, #tpu.memory_space<hbm>>
        %dma_wait3A_57 = tpu.memref_squeeze %dma_wait3A_56 : memref<1x1x1x16x128xi32, #tpu.memory_space<hbm>> -> memref<16x128xi32, #tpu.memory_space<hbm>>
        %dma_wait3A_58 = arith.constant 0 : i32
        %dma_wait3A_59 = arith.constant 0 : i32
        %dma_wait3A_60 = tpu.memref_slice %arg4[%arg0, %arg1, %scan3A_34, %dma_wait3A_58, %dma_wait3A_59] : memref<2x16x5x16x128xi32, #tpu.memory_space<hbm>> -> memref<1x1x1x16x128xi32, #tpu.memory_space<hbm>>
        %dma_wait3A_61 = tpu.memref_squeeze %dma_wait3A_60 : memref<1x1x1x16x128xi32, #tpu.memory_space<hbm>> -> memref<16x128xi32, #tpu.memory_space<hbm>>
        tpu.wait_dma2 semaphore(%run_scoped3A : memref<!tpu.dma_semaphore, #tpu.memory_space<semaphore_mem>>) src(%dma_wait3A_61 : memref<16x128xi32, #tpu.memory_space<hbm>>) dst(%arg7 : memref<16x128xi32, #tpu.memory_space<vmem>>)
        tpu.yield
      }) : () -> ()
      %dma_start3A = arith.constant 0 : i32
      %dma_start3A_35 = arith.constant 0 : i32
      %dma_start3A_36 = tpu.memref_slice %arg6[%dma_start3A, %dma_start3A_35] : memref<16x128xi32, #tpu.memory_space<vmem>> -> memref<1x128xi32, #tpu.memory_space<vmem>>
      %dma_start3A_37 = tpu.memref_squeeze %dma_start3A_36 : memref<1x128xi32, #tpu.memory_space<vmem>> -> memref<128xi32, #tpu.memory_space<vmem>>
      %dma_start3A_38 = arith.constant 0 : i32
      %dma_start3A_39 = arith.constant 0 : i32
      %dma_start3A_40 = tpu.memref_slice %arg2[%dma_start3A_38, %dma_start3A_39] : memref<10000x128xf32, #tpu.memory_space<hbm>> -> memref<10000x128xf32, #tpu.memory_space<hbm>>
      tpu.enqueue_indirect_dma source(%dma_start3A_40 : memref<10000x128xf32, #tpu.memory_space<hbm>>) target(%arg8 : memref<128x128xf32, #tpu.memory_space<vmem>>) offsets(%dma_start3A_37 : memref<128xi32, #tpu.memory_space<vmem>>) semaphore(%arg11 : memref<!tpu.dma_semaphore, #tpu.memory_space<semaphore_mem>>)
      %scan3A_41 = arith.constant 0 : i32
      %scan3A_42 = arith.constant 0 : i32
      %scan3A_43 = arith.constant 8 : i32
      %scan3A_44 = arith.addi %scan3A_42, %scan3A_43 : i32
      %scan3A_45 = arith.constant 1 : i32
      scf.for %scan3A_47 = %scan3A_42 to %scan3A_44 step %scan3A_45  : i32 {
        %mul3A_48 = arith.constant 2 : i32
        %mul3A_49 = arith.muli %scan3A_47, %mul3A_48 : i32
        %add3A_50 = arith.constant 1 : i32
        %add3A_51 = arith.addi %mul3A_49, %add3A_50 : i32
        %dma_start3A_52 = arith.constant 0 : i32
        %dma_start3A_53 = tpu.memref_slice %arg6[%add3A_51, %dma_start3A_52] : memref<16x128xi32, #tpu.memory_space<vmem>> -> memref<1x128xi32, #tpu.memory_space<vmem>>
        %dma_start3A_54 = tpu.memref_squeeze %dma_start3A_53 : memref<1x128xi32, #tpu.memory_space<vmem>> -> memref<128xi32, #tpu.memory_space<vmem>>
        %dma_start3A_55 = arith.constant 0 : i32
        %dma_start3A_56 = arith.constant 0 : i32
        %dma_start3A_57 = tpu.memref_slice %arg2[%dma_start3A_55, %dma_start3A_56] : memref<10000x128xf32, #tpu.memory_space<hbm>> -> memref<10000x128xf32, #tpu.memory_space<hbm>>
        tpu.enqueue_indirect_dma source(%dma_start3A_57 : memref<10000x128xf32, #tpu.memory_space<hbm>>) target(%arg9 : memref<128x128xf32, #tpu.memory_space<vmem>>) offsets(%dma_start3A_54 : memref<128xi32, #tpu.memory_space<vmem>>) semaphore(%arg12 : memref<!tpu.dma_semaphore, #tpu.memory_space<semaphore_mem>>)
        %dma_wait3A = arith.constant 0 : i32
        %dma_wait3A_58 = tpu.memref_slice %arg6[%mul3A_49, %dma_wait3A] : memref<16x128xi32, #tpu.memory_space<vmem>> -> memref<1x128xi32, #tpu.memory_space<vmem>>
        %dma_wait3A_59 = tpu.memref_squeeze %dma_wait3A_58 : memref<1x128xi32, #tpu.memory_space<vmem>> -> memref<128xi32, #tpu.memory_space<vmem>>
        %dma_wait3A_60 = arith.constant 0 : i32
        %dma_wait3A_61 = arith.constant 0 : i32
        %dma_wait3A_62 = tpu.memref_slice %arg2[%dma_wait3A_60, %dma_wait3A_61] : memref<10000x128xf32, #tpu.memory_space<hbm>> -> memref<10000x128xf32, #tpu.memory_space<hbm>>
        tpu.wait_indirect_dma semaphore(%arg11 : memref<!tpu.dma_semaphore, #tpu.memory_space<semaphore_mem>>) src(%dma_wait3A_62 : memref<10000x128xf32, #tpu.memory_space<hbm>>) dst(%arg8 : memref<128x128xf32, #tpu.memory_space<vmem>>)
        "tpu.region"() ({
          %run_scoped3A = tpu.sem_alloc : memref<!tpu.dma_semaphore, #tpu.memory_space<semaphore_mem>>
          %dma_start3A_77 = arith.constant 0 : i32
          %dma_start3A_78 = tpu.memref_slice %arg7[%mul3A_49, %dma_start3A_77] : memref<16x128xi32, #tpu.memory_space<vmem>> -> memref<1x128xi32, #tpu.memory_space<vmem>>
          %dma_start3A_79 = tpu.memref_squeeze %dma_start3A_78 : memref<1x128xi32, #tpu.memory_space<vmem>> -> memref<128xi32, #tpu.memory_space<vmem>>
          %dma_start3A_80 = arith.constant 0 : i32
          %dma_start3A_81 = arith.constant 0 : i32
          %dma_start3A_82 = tpu.memref_slice %arg10[%dma_start3A_80, %dma_start3A_81] : memref<10240x128xf32, #tpu.memory_space<vmem_shared>> -> memref<10240x128xf32, #tpu.memory_space<vmem_shared>>
          tpu.enqueue_indirect_dma source(%arg8 : memref<128x128xf32, #tpu.memory_space<vmem>>) target(%dma_start3A_82 : memref<10240x128xf32, #tpu.memory_space<vmem_shared>>) offsets(%dma_start3A_79 : memref<128xi32, #tpu.memory_space<vmem>>) semaphore(%run_scoped3A : memref<!tpu.dma_semaphore, #tpu.memory_space<semaphore_mem>>) {add = true}
          %dma_wait3A_83 = arith.constant 0 : i32
          %dma_wait3A_84 = tpu.memref_slice %arg7[%mul3A_49, %dma_wait3A_83] : memref<16x128xi32, #tpu.memory_space<vmem>> -> memref<1x128xi32, #tpu.memory_space<vmem>>
          %dma_wait3A_85 = tpu.memref_squeeze %dma_wait3A_84 : memref<1x128xi32, #tpu.memory_space<vmem>> -> memref<128xi32, #tpu.memory_space<vmem>>
          %dma_wait3A_86 = arith.constant 0 : i32
          %dma_wait3A_87 = arith.constant 0 : i32
          %dma_wait3A_88 = tpu.memref_slice %arg10[%dma_wait3A_86, %dma_wait3A_87] : memref<10240x128xf32, #tpu.memory_space<vmem_shared>> -> memref<10240x128xf32, #tpu.memory_space<vmem_shared>>
          tpu.wait_indirect_dma semaphore(%run_scoped3A : memref<!tpu.dma_semaphore, #tpu.memory_space<semaphore_mem>>) src(%arg8 : memref<128x128xf32, #tpu.memory_space<vmem>>) dst(%dma_wait3A_88 : memref<10240x128xf32, #tpu.memory_space<vmem_shared>>)
          tpu.yield
        }) : () -> ()
        %add3A_63 = arith.constant 2 : i32
        %add3A_64 = arith.addi %mul3A_49, %add3A_63 : i32
        %lt3A = arith.constant 16 : i32
        %lt3A_65 = arith.cmpi slt, %add3A_64, %lt3A : i32
        %convert_element_type3A = arith.extui %lt3A_65 : i1 to i32
        %cond3A = arith.constant 0 : i32
        %cond3A_66 = arith.cmpi ne, %convert_element_type3A, %cond3A : i32
        scf.if %cond3A_66 {
          %add3A_77 = arith.constant 2 : i32
          %add3A_78 = arith.addi %mul3A_49, %add3A_77 : i32
          %dma_start3A_79 = arith.constant 0 : i32
          %dma_start3A_80 = tpu.memref_slice %arg6[%add3A_78, %dma_start3A_79] : memref<16x128xi32, #tpu.memory_space<vmem>> -> memref<1x128xi32, #tpu.memory_space<vmem>>
          %dma_start3A_81 = tpu.memref_squeeze %dma_start3A_80 : memref<1x128xi32, #tpu.memory_space<vmem>> -> memref<128xi32, #tpu.memory_space<vmem>>
          %dma_start3A_82 = arith.constant 0 : i32
          %dma_start3A_83 = arith.constant 0 : i32
          %dma_start3A_84 = tpu.memref_slice %arg2[%dma_start3A_82, %dma_start3A_83] : memref<10000x128xf32, #tpu.memory_space<hbm>> -> memref<10000x128xf32, #tpu.memory_space<hbm>>
          tpu.enqueue_indirect_dma source(%dma_start3A_84 : memref<10000x128xf32, #tpu.memory_space<hbm>>) target(%arg8 : memref<128x128xf32, #tpu.memory_space<vmem>>) offsets(%dma_start3A_81 : memref<128xi32, #tpu.memory_space<vmem>>) semaphore(%arg11 : memref<!tpu.dma_semaphore, #tpu.memory_space<semaphore_mem>>)
        } else {
        }
        %add3A_67 = arith.constant 1 : i32
        %add3A_68 = arith.addi %mul3A_49, %add3A_67 : i32
        %dma_wait3A_69 = arith.constant 0 : i32
        %dma_wait3A_70 = tpu.memref_slice %arg6[%add3A_68, %dma_wait3A_69] : memref<16x128xi32, #tpu.memory_space<vmem>> -> memref<1x128xi32, #tpu.memory_space<vmem>>
        %dma_wait3A_71 = tpu.memref_squeeze %dma_wait3A_70 : memref<1x128xi32, #tpu.memory_space<vmem>> -> memref<128xi32, #tpu.memory_space<vmem>>
        %dma_wait3A_72 = arith.constant 0 : i32
        %dma_wait3A_73 = arith.constant 0 : i32
        %dma_wait3A_74 = tpu.memref_slice %arg2[%dma_wait3A_72, %dma_wait3A_73] : memref<10000x128xf32, #tpu.memory_space<hbm>> -> memref<10000x128xf32, #tpu.memory_space<hbm>>
        tpu.wait_indirect_dma semaphore(%arg12 : memref<!tpu.dma_semaphore, #tpu.memory_space<semaphore_mem>>) src(%dma_wait3A_74 : memref<10000x128xf32, #tpu.memory_space<hbm>>) dst(%arg9 : memref<128x128xf32, #tpu.memory_space<vmem>>)
        %add3A_75 = arith.constant 1 : i32
        %add3A_76 = arith.addi %mul3A_49, %add3A_75 : i32
        "tpu.region"() ({
          %run_scoped3A = tpu.sem_alloc : memref<!tpu.dma_semaphore, #tpu.memory_space<semaphore_mem>>
          %dma_start3A_77 = arith.constant 0 : i32
          %dma_start3A_78 = tpu.memref_slice %arg7[%add3A_76, %dma_start3A_77] : memref<16x128xi32, #tpu.memory_space<vmem>> -> memref<1x128xi32, #tpu.memory_space<vmem>>
          %dma_start3A_79 = tpu.memref_squeeze %dma_start3A_78 : memref<1x128xi32, #tpu.memory_space<vmem>> -> memref<128xi32, #tpu.memory_space<vmem>>
          %dma_start3A_80 = arith.constant 0 : i32
          %dma_start3A_81 = arith.constant 0 : i32
          %dma_start3A_82 = tpu.memref_slice %arg10[%dma_start3A_80, %dma_start3A_81] : memref<10240x128xf32, #tpu.memory_space<vmem_shared>> -> memref<10240x128xf32, #tpu.memory_space<vmem_shared>>
          tpu.enqueue_indirect_dma source(%arg9 : memref<128x128xf32, #tpu.memory_space<vmem>>) target(%dma_start3A_82 : memref<10240x128xf32, #tpu.memory_space<vmem_shared>>) offsets(%dma_start3A_79 : memref<128xi32, #tpu.memory_space<vmem>>) semaphore(%run_scoped3A : memref<!tpu.dma_semaphore, #tpu.memory_space<semaphore_mem>>) {add = true}
          %dma_wait3A_83 = arith.constant 0 : i32
          %dma_wait3A_84 = tpu.memref_slice %arg7[%add3A_76, %dma_wait3A_83] : memref<16x128xi32, #tpu.memory_space<vmem>> -> memref<1x128xi32, #tpu.memory_space<vmem>>
          %dma_wait3A_85 = tpu.memref_squeeze %dma_wait3A_84 : memref<1x128xi32, #tpu.memory_space<vmem>> -> memref<128xi32, #tpu.memory_space<vmem>>
          %dma_wait3A_86 = arith.constant 0 : i32
          %dma_wait3A_87 = arith.constant 0 : i32
          %dma_wait3A_88 = tpu.memref_slice %arg10[%dma_wait3A_86, %dma_wait3A_87] : memref<10240x128xf32, #tpu.memory_space<vmem_shared>> -> memref<10240x128xf32, #tpu.memory_space<vmem_shared>>
          tpu.wait_indirect_dma semaphore(%run_scoped3A : memref<!tpu.dma_semaphore, #tpu.memory_space<semaphore_mem>>) src(%arg9 : memref<128x128xf32, #tpu.memory_space<vmem>>) dst(%dma_wait3A_88 : memref<10240x128xf32, #tpu.memory_space<vmem_shared>>)
          tpu.yield
        }) : () -> ()
      }
      %scan3A_46 = arith.constant 8 : i32
    }
    %scan3A_28 = arith.constant 5 : i32
    %barrier3A_29 = arith.constant 0 : index
    tpu.barrier barrier_id(%barrier3A_29)
    %mul3A_30 = arith.constant 640 : i32
    %mul3A_31 = arith.muli %arg1, %mul3A_30 : i32
    %mul3A_32 = arith.constant 640 : i32
    %mul3A_33 = arith.muli %arg1, %mul3A_32 : i32
    "tpu.region"() ({
      %run_scoped3A = tpu.sem_alloc : memref<!tpu.dma_semaphore, #tpu.memory_space<semaphore_mem>>
      %dma_start3A = arith.constant 0 : i32
      %dma_start3A_34 = tpu.memref_slice %arg5[%arg0, %mul3A_33, %dma_start3A] : memref<2x10240x128xf32, #tpu.memory_space<hbm>> -> memref<1x640x128xf32, #tpu.memory_space<hbm>>
      %dma_start3A_35 = tpu.memref_squeeze %dma_start3A_34 : memref<1x640x128xf32, #tpu.memory_space<hbm>> -> memref<640x128xf32, #tpu.memory_space<hbm>>
      %dma_start3A_36 = arith.constant 0 : i32
      %dma_start3A_37 = tpu.memref_slice %arg10[%mul3A_31, %dma_start3A_36] : memref<10240x128xf32, #tpu.memory_space<vmem_shared>> -> memref<640x128xf32, #tpu.memory_space<vmem_shared>>
      tpu.enqueue_dma source(%dma_start3A_37 : memref<640x128xf32, #tpu.memory_space<vmem_shared>>) target(%dma_start3A_35 : memref<640x128xf32, #tpu.memory_space<hbm>>) target_semaphore(%run_scoped3A : memref<!tpu.dma_semaphore, #tpu.memory_space<semaphore_mem>>)
      %dma_wait3A = arith.constant 0 : i32
      %dma_wait3A_38 = tpu.memref_slice %arg5[%arg0, %mul3A_33, %dma_wait3A] : memref<2x10240x128xf32, #tpu.memory_space<hbm>> -> memref<1x640x128xf32, #tpu.memory_space<hbm>>
      %dma_wait3A_39 = tpu.memref_squeeze %dma_wait3A_38 : memref<1x640x128xf32, #tpu.memory_space<hbm>> -> memref<640x128xf32, #tpu.memory_space<hbm>>
      %dma_wait3A_40 = arith.constant 0 : i32
      %dma_wait3A_41 = tpu.memref_slice %arg10[%mul3A_31, %dma_wait3A_40] : memref<10240x128xf32, #tpu.memory_space<vmem_shared>> -> memref<640x128xf32, #tpu.memory_space<vmem_shared>>
      tpu.wait_dma2 semaphore(%run_scoped3A : memref<!tpu.dma_semaphore, #tpu.memory_space<semaphore_mem>>) src(%dma_wait3A_41 : memref<640x128xf32, #tpu.memory_space<vmem_shared>>) dst(%dma_wait3A_39 : memref<640x128xf32, #tpu.memory_space<hbm>>)
      tpu.yield
    }) : () -> ()
    return
  }
}

module attributes {stable_mosaic.version = 14 : i64} {
  func.func @_tc_stage2_body(%arg0: memref<10000x128xf32, #tpu.memory_space<vmem>>, %arg1: memref<2x10240x128xf32, #tpu.memory_space<vmem>>, %arg2: memref<128x128xf32, #tpu.memory_space<vmem>>, %arg3: memref<1x128xf32, #tpu.memory_space<vmem>>, %arg4: memref<1x128xf32, #tpu.memory_space<vmem>>, %arg5: memref<1x128xf32, #tpu.memory_space<vmem>>, %arg6: memref<10000x128xf32, #tpu.memory_space<vmem>>) attributes {dimension_semantics = [], scalar_prefetch = 0 : i64, scratch_operands = 0 : i64, tpu.core_type = #tpu.core_type<tc>} {
    %get3A = arith.constant 0 : index
    %get3A_0 = arith.constant 0 : index
    %get3A_1 = arith.constant 0 : index
    %get3A_2 = vector.load %arg1[%get3A, %get3A_0, %get3A_1] : memref<2x10240x128xf32, #tpu.memory_space<vmem>>, vector<1x10000x128xf32>
    %get3A_3 = vector.shape_cast %get3A_2 : vector<1x10000x128xf32> to vector<10000x128xf32>
    %get3A_4 = arith.constant 1 : index
    %get3A_5 = arith.constant 0 : index
    %get3A_6 = arith.constant 0 : index
    %get3A_7 = vector.load %arg1[%get3A_4, %get3A_5, %get3A_6] : memref<2x10240x128xf32, #tpu.memory_space<vmem>>, vector<1x10000x128xf32>
    %get3A_8 = vector.shape_cast %get3A_7 : vector<1x10000x128xf32> to vector<10000x128xf32>
    %add3A = arith.addf %get3A_3, %get3A_8 : vector<10000x128xf32>
    %get3A_9 = arith.constant 0 : index
    %get3A_10 = arith.constant 0 : index
    %get3A_11 = vector.load %arg0[%get3A_9, %get3A_10] : memref<10000x128xf32, #tpu.memory_space<vmem>>, vector<10000x128xf32>
    %add3A_12 = arith.addf %get3A_11, %add3A : vector<10000x128xf32>
    %get3A_13 = arith.constant 0 : index
    %get3A_14 = arith.constant 0 : index
    %get3A_15 = vector.load %arg2[%get3A_13, %get3A_14] : memref<128x128xf32, #tpu.memory_space<vmem>>, vector<128x128xf32>
    %dot_general3A = arith.constant dense<0.000000e+00> : vector<10000x128xf32>
    %dot_general3A_16 = tpu.matmul %add3A_12, %get3A_15, %dot_general3A {dimension_numbers = #tpu.dot_dimension_numbers<[1], [1], [0], [0], [0, 0, 1, 0], [], []>, transpose_lhs_hint = false} : vector<10000x128xf32>, vector<128x128xf32>, vector<10000x128xf32> -> vector<10000x128xf32>
    %get3A_17 = arith.constant 0 : index
    %get3A_18 = arith.constant 0 : index
    %get3A_19 = vector.load %arg3[%get3A_17, %get3A_18] : memref<1x128xf32, #tpu.memory_space<vmem>>, vector<1x128xf32>
    %add3A_20 = vector.broadcast %get3A_19 : vector<1x128xf32> to vector<10000x128xf32>
    %add3A_21 = arith.addf %dot_general3A_16, %add3A_20 : vector<10000x128xf32>
    %reduce_sum3A = arith.constant dense<0.000000e+00> : vector<128xf32>
    %reduce_sum3A_22 = vector.multi_reduction <add>, %add3A_21, %reduce_sum3A [0] : vector<10000x128xf32> to vector<128xf32>
    %broadcast_in_dim3A = vector.shape_cast %reduce_sum3A_22 : vector<128xf32> to vector<1x128xf32>
    %div3A = arith.constant 1.000000e+04 : f32
    %div3A_23 = vector.broadcast %div3A : f32 to vector<1x128xf32>
    %div3A_24 = arith.divf %broadcast_in_dim3A, %div3A_23 : vector<1x128xf32>
    %sub3A = vector.broadcast %div3A_24 : vector<1x128xf32> to vector<10000x128xf32>
    %sub3A_25 = arith.subf %add3A_21, %sub3A : vector<10000x128xf32>
    %integer_pow3A = arith.mulf %sub3A_25, %sub3A_25 : vector<10000x128xf32>
    %reduce_sum3A_26 = arith.constant dense<0.000000e+00> : vector<128xf32>
    %reduce_sum3A_27 = vector.multi_reduction <add>, %integer_pow3A, %reduce_sum3A_26 [0] : vector<10000x128xf32> to vector<128xf32>
    %broadcast_in_dim3A_28 = vector.shape_cast %reduce_sum3A_27 : vector<128xf32> to vector<1x128xf32>
    %div3A_29 = arith.constant 1.000000e+04 : f32
    %div3A_30 = vector.broadcast %div3A_29 : f32 to vector<1x128xf32>
    %div3A_31 = arith.divf %broadcast_in_dim3A_28, %div3A_30 : vector<1x128xf32>
    %sub3A_32 = vector.broadcast %div3A_24 : vector<1x128xf32> to vector<10000x128xf32>
    %sub3A_33 = arith.subf %add3A_21, %sub3A_32 : vector<10000x128xf32>
    %add3A_34 = arith.constant 9.99999974E-6 : f32
    %add3A_35 = vector.broadcast %add3A_34 : f32 to vector<1x128xf32>
    %add3A_36 = arith.addf %div3A_31, %add3A_35 : vector<1x128xf32>
    %rsqrt3A = math.rsqrt %add3A_36 : vector<1x128xf32>
    %mul3A = vector.broadcast %rsqrt3A : vector<1x128xf32> to vector<10000x128xf32>
    %mul3A_37 = arith.mulf %sub3A_33, %mul3A : vector<10000x128xf32>
    %get3A_38 = arith.constant 0 : index
    %get3A_39 = arith.constant 0 : index
    %get3A_40 = vector.load %arg4[%get3A_38, %get3A_39] : memref<1x128xf32, #tpu.memory_space<vmem>>, vector<1x128xf32>
    %mul3A_41 = vector.broadcast %get3A_40 : vector<1x128xf32> to vector<10000x128xf32>
    %mul3A_42 = arith.mulf %mul3A_37, %mul3A_41 : vector<10000x128xf32>
    %get3A_43 = arith.constant 0 : index
    %get3A_44 = arith.constant 0 : index
    %get3A_45 = vector.load %arg5[%get3A_43, %get3A_44] : memref<1x128xf32, #tpu.memory_space<vmem>>, vector<1x128xf32>
    %add3A_46 = vector.broadcast %get3A_45 : vector<1x128xf32> to vector<10000x128xf32>
    %add3A_47 = arith.addf %mul3A_42, %add3A_46 : vector<10000x128xf32>
    %reduce_max3A = arith.constant dense<0xFF800000> : vector<10000xf32>
    %reduce_max3A_48 = vector.multi_reduction <maximumf>, %add3A_47, %reduce_max3A [1] : vector<10000x128xf32> to vector<10000xf32>
    %broadcast_in_dim3A_49 = vector.shape_cast %reduce_max3A_48 : vector<10000xf32> to vector<10000x1xf32>
    %sub3A_50 = vector.broadcast %broadcast_in_dim3A_49 : vector<10000x1xf32> to vector<10000x128xf32>
    %sub3A_51 = arith.subf %add3A_47, %sub3A_50 : vector<10000x128xf32>
    %exp3A = math.exp %sub3A_51 : vector<10000x128xf32>
    %reduce_sum3A_52 = arith.constant dense<0.000000e+00> : vector<10000xf32>
    %reduce_sum3A_53 = vector.multi_reduction <add>, %exp3A, %reduce_sum3A_52 [1] : vector<10000x128xf32> to vector<10000xf32>
    %broadcast_in_dim3A_54 = vector.shape_cast %reduce_sum3A_53 : vector<10000xf32> to vector<10000x1xf32>
    %log3A = math.log %broadcast_in_dim3A_54 : vector<10000x1xf32>
    %add3A_55 = arith.addf %log3A, %broadcast_in_dim3A_49 : vector<10000x1xf32>
    %sub3A_56 = vector.broadcast %add3A_55 : vector<10000x1xf32> to vector<10000x128xf32>
    %sub3A_57 = arith.subf %add3A_47, %sub3A_56 : vector<10000x128xf32>
    %swap3A = arith.constant 0 : index
    %swap3A_58 = arith.constant 0 : index
    %swap3A_59 = vector.load %arg6[%swap3A, %swap3A_58] : memref<10000x128xf32, #tpu.memory_space<vmem>>, vector<10000x128xf32>
    tpu.vector_store %arg6[%swap3A, %swap3A_58], %sub3A_57 {strides = array<i32>} : memref<10000x128xf32, #tpu.memory_space<vmem>>, vector<10000x128xf32>,
    return
  }
}

module attributes {stable_mosaic.version = 14 : i64} {
  func.func @_tc_stage1_body(%arg0: memref<10000x128xf32, #tpu.memory_space<vmem>>, %arg1: memref<2x10240x128xf32, #tpu.memory_space<vmem>>, %arg2: memref<128x128xf32, #tpu.memory_space<vmem>>, %arg3: memref<1x128xf32, #tpu.memory_space<vmem>>, %arg4: memref<1x128xf32, #tpu.memory_space<vmem>>, %arg5: memref<1x128xf32, #tpu.memory_space<vmem>>, %arg6: memref<10000x128xf32, #tpu.memory_space<vmem>>) attributes {dimension_semantics = [], scalar_prefetch = 0 : i64, scratch_operands = 0 : i64, tpu.core_type = #tpu.core_type<tc>} {
    %get3A = arith.constant 0 : index
    %get3A_0 = arith.constant 0 : index
    %get3A_1 = arith.constant 0 : index
    %get3A_2 = vector.load %arg1[%get3A, %get3A_0, %get3A_1] : memref<2x10240x128xf32, #tpu.memory_space<vmem>>, vector<1x10000x128xf32>
    %get3A_3 = vector.shape_cast %get3A_2 : vector<1x10000x128xf32> to vector<10000x128xf32>
    %get3A_4 = arith.constant 1 : index
    %get3A_5 = arith.constant 0 : index
    %get3A_6 = arith.constant 0 : index
    %get3A_7 = vector.load %arg1[%get3A_4, %get3A_5, %get3A_6] : memref<2x10240x128xf32, #tpu.memory_space<vmem>>, vector<1x10000x128xf32>
    %get3A_8 = vector.shape_cast %get3A_7 : vector<1x10000x128xf32> to vector<10000x128xf32>
    %add3A = arith.addf %get3A_3, %get3A_8 : vector<10000x128xf32>
    %get3A_9 = arith.constant 0 : index
    %get3A_10 = arith.constant 0 : index
    %get3A_11 = vector.load %arg0[%get3A_9, %get3A_10] : memref<10000x128xf32, #tpu.memory_space<vmem>>, vector<10000x128xf32>
    %add3A_12 = arith.addf %get3A_11, %add3A : vector<10000x128xf32>
    %get3A_13 = arith.constant 0 : index
    %get3A_14 = arith.constant 0 : index
    %get3A_15 = vector.load %arg2[%get3A_13, %get3A_14] : memref<128x128xf32, #tpu.memory_space<vmem>>, vector<128x128xf32>
    %dot_general3A = arith.constant dense<0.000000e+00> : vector<10000x128xf32>
    %dot_general3A_16 = tpu.matmul %add3A_12, %get3A_15, %dot_general3A {dimension_numbers = #tpu.dot_dimension_numbers<[1], [1], [0], [0], [0, 0, 1, 0], [], []>, transpose_lhs_hint = false} : vector<10000x128xf32>, vector<128x128xf32>, vector<10000x128xf32> -> vector<10000x128xf32>
    %get3A_17 = arith.constant 0 : index
    %get3A_18 = arith.constant 0 : index
    %get3A_19 = vector.load %arg3[%get3A_17, %get3A_18] : memref<1x128xf32, #tpu.memory_space<vmem>>, vector<1x128xf32>
    %add3A_20 = vector.broadcast %get3A_19 : vector<1x128xf32> to vector<10000x128xf32>
    %add3A_21 = arith.addf %dot_general3A_16, %add3A_20 : vector<10000x128xf32>
    %reduce_sum3A = arith.constant dense<0.000000e+00> : vector<128xf32>
    %reduce_sum3A_22 = vector.multi_reduction <add>, %add3A_21, %reduce_sum3A [0] : vector<10000x128xf32> to vector<128xf32>
    %broadcast_in_dim3A = vector.shape_cast %reduce_sum3A_22 : vector<128xf32> to vector<1x128xf32>
    %div3A = arith.constant 1.000000e+04 : f32
    %div3A_23 = vector.broadcast %div3A : f32 to vector<1x128xf32>
    %div3A_24 = arith.divf %broadcast_in_dim3A, %div3A_23 : vector<1x128xf32>
    %sub3A = vector.broadcast %div3A_24 : vector<1x128xf32> to vector<10000x128xf32>
    %sub3A_25 = arith.subf %add3A_21, %sub3A : vector<10000x128xf32>
    %integer_pow3A = arith.mulf %sub3A_25, %sub3A_25 : vector<10000x128xf32>
    %reduce_sum3A_26 = arith.constant dense<0.000000e+00> : vector<128xf32>
    %reduce_sum3A_27 = vector.multi_reduction <add>, %integer_pow3A, %reduce_sum3A_26 [0] : vector<10000x128xf32> to vector<128xf32>
    %broadcast_in_dim3A_28 = vector.shape_cast %reduce_sum3A_27 : vector<128xf32> to vector<1x128xf32>
    %div3A_29 = arith.constant 1.000000e+04 : f32
    %div3A_30 = vector.broadcast %div3A_29 : f32 to vector<1x128xf32>
    %div3A_31 = arith.divf %broadcast_in_dim3A_28, %div3A_30 : vector<1x128xf32>
    %sub3A_32 = vector.broadcast %div3A_24 : vector<1x128xf32> to vector<10000x128xf32>
    %sub3A_33 = arith.subf %add3A_21, %sub3A_32 : vector<10000x128xf32>
    %add3A_34 = arith.constant 9.99999974E-6 : f32
    %add3A_35 = vector.broadcast %add3A_34 : f32 to vector<1x128xf32>
    %add3A_36 = arith.addf %div3A_31, %add3A_35 : vector<1x128xf32>
    %rsqrt3A = math.rsqrt %add3A_36 : vector<1x128xf32>
    %mul3A = vector.broadcast %rsqrt3A : vector<1x128xf32> to vector<10000x128xf32>
    %mul3A_37 = arith.mulf %sub3A_33, %mul3A : vector<10000x128xf32>
    %get3A_38 = arith.constant 0 : index
    %get3A_39 = arith.constant 0 : index
    %get3A_40 = vector.load %arg4[%get3A_38, %get3A_39] : memref<1x128xf32, #tpu.memory_space<vmem>>, vector<1x128xf32>
    %mul3A_41 = vector.broadcast %get3A_40 : vector<1x128xf32> to vector<10000x128xf32>
    %mul3A_42 = arith.mulf %mul3A_37, %mul3A_41 : vector<10000x128xf32>
    %get3A_43 = arith.constant 0 : index
    %get3A_44 = arith.constant 0 : index
    %get3A_45 = vector.load %arg5[%get3A_43, %get3A_44] : memref<1x128xf32, #tpu.memory_space<vmem>>, vector<1x128xf32>
    %add3A_46 = vector.broadcast %get3A_45 : vector<1x128xf32> to vector<10000x128xf32>
    %add3A_47 = arith.addf %mul3A_42, %add3A_46 : vector<10000x128xf32>
    %max3A = arith.constant 0.000000e+00 : f32
    %max3A_48 = vector.broadcast %max3A : f32 to vector<10000x128xf32>
    %max3A_49 = arith.maximumf %add3A_47, %max3A_48 : vector<10000x128xf32>
    %swap3A = arith.constant 0 : index
    %swap3A_50 = arith.constant 0 : index
    %swap3A_51 = vector.load %arg6[%swap3A, %swap3A_50] : memref<10000x128xf32, #tpu.memory_space<vmem>>, vector<10000x128xf32>
    tpu.vector_store %arg6[%swap3A, %swap3A_50], %max3A_49 {strides = array<i32>} : memref<10000x128xf32, #tpu.memory_space<vmem>>, vector<10000x128xf32>,
    return
  }
}

</mosaic_0001>

<sc_bundles>
// kernel: kernel.6.cloned.1.call-start
scs
__scs_entry_jumppad:
0x0: {  	(pc) =	sbr.rel $0x88, $3  }
0x1: {  	(tag) =	ssettag $0x0;
	lr =	simm.s32 $0x1  }
0x2: {  	[smem:$0x3F97] =	sst lr;
	_ =	strace $0xD0000000  }
0x3: {  	_ = 	snop  }
0x4: {  	_ = 	snop  }
0x5: {  	_ = 	snop  }
0x6: {  	_ = 	snop  }
0x7: {  	_ = 	snop  }
__scs_overlays_trampoline_lowered:
0x8: {  	[smem:$0x3FA6] =	sst s0  }
0x9: {  	[smem:$0x3FA7] =	sst s1  }
0xa: {  	[smem:$0x3FA8] =	sst s2  }
0xb: {  	[smem:$0x3FA9] =	sst s3  }
0xc: {  	[smem:$0x3FAA] =	sst s4  }
0xd: {  	[smem:$0x3FAB] =	sst s5  }
0xe: {  	[smem:$0x3FAC] =	sst s6  }
0xf: {  	[smem:$0x3FAD] =	sst s7  }
0x10: {  	[smem:$0x3FAE] =	sst s8  }
0x11: {  	[smem:$0x3FAF] =	sst s9;
	s0 =	simm.s32 @!p0 $0x0  }
0x12: {  	s1 =	sld [smem:$0x3F95];
	s0 =	simm.s32 @p0 $0x1  }
0x13: {  	[smem:$0x3FB0] =	sst s0;
	s0 =	simm.s32 @!p1 $0x0  }
0x14: {  	s2 =	sld [smem:$0x3F94];
	s0 =	simm.s32 @p1 $0x1  }
0x15: {  	[smem:$0x3FB1] =	sst s0;
	s0 =	simm.s32 @!p2 $0x0  }
0x16: {  	s3 =	sld [smem:$0x3FDB];
	s0 =	simm.s32 @p2 $0x1  }
0x17: {  	s4 =	simm.s32 $0x1BF5;
	[smem:$0x3FB3] =	sst s0  }
0x18: {  	s0 =	sld [smem:$0x3F96];
	_ =	swait.ge [sflag:s4], $0x0  }
0x19: {  	s7 =	sld [smem:$0x3F97]  }
0x1a: {  	s8 =	sadd.s32 $0xFFFFE003, lr  }
0x1b: {  	s9 =	sadd.s32 $0xFFFFFEF7, lr;
	s5 =	simm.s32 $0xFFFFFFFF;
	p2 =	slt.u32 s8, $0xFFFFF086  }
0x1c: {  	p1 =	slt.u32 s9, $0xF7A;
	s5 =	simm.s32 @!p2 $0x0  }
0x1d: {  	s5 =	simm.s32 @p1 $0x1;
	p0 =	seq.s32 s7, s2  }
0x1e: {  	s7 =	smul.u32 @!p0 $0xF7A, s2;
	p2 =	seq.s32 @!p0 s5, $0x0  }
0x1f: {  	s9 =	smul.u32 $0xF7A, s1;
	s8 =	simm.s32 @!p0 $0x1BF5;
	p2 =	por !p2, p0  }
0x20: {  	[sflag:s8] =	ssyncset.s32 @!p0 $0xFFFFF086;
	s6 =	sadd.s32 @!p0 s3, s7;
	s7 =	simm.s32 @!p0 $0x108  }
0x21: {  	s3 =	sadd.s32 s3, s9;
	s6 =	sadd.s32 @!p0 $0x88, s6;
	s7 =	simm.s32 @p2 $0x1082  }
0x22: {  	[simem:s7], [sflag:s8] =	dma.local @!p0 [hbm:s6], $0xF7A  }
0x23: {  	s9 =	sor.u32 $0xD0000000, s2;
	s6 =	simm.s32 $0x108;
	_ =	swait.ge @!p0 [sflag:s8], $0x0  }
0x24: {  	s3 =	sadd.s32 $0x88, s3;
	s6 =	simm.s32 @!p1 $0x1082;
	[sflag:s4] =	ssyncset.s32 $0xFFFFF086  }
0x25: {  	[simem:s6], [sflag:s4] =	dma.local [hbm:s3], $0xF7A  }
0x26: {  	[smem:$0x3F97] =	sst s1;
	(tag) =	ssettag s2;
	_ =	strace s9  }
0x27: {  	s1 =	sld [smem:$0x3FA7]  }
0x28: {  	s2 =	sld [smem:$0x3FA8]  }
0x29: {  	s4 =	sld [smem:$0x3FAA]  }
0x2a: {  	p0 =	seq.s32 s5, $0x0;
	s5 =	sld [smem:$0x3FAB]  }
0x2b: {  	s6 =	sld [smem:$0x3FAC]  }
0x2c: {  	s7 =	sld [smem:$0x3FAD]  }
0x2d: {  	s3 =	simm.s32 $0x108;
	s8 =	sld [smem:$0x3FAE]  }
0x2e: {  	s3 =	simm.s32 @!p0 $0x1082;
	s9 =	sld [smem:$0x3FAF]  }
0x2f: {  	lr =	sadd.s32 s0, s3;
	s0 =	sld [smem:$0x3FA6]  }
0x30: {  	s3 =	sld [smem:$0x3FA9]  }
0x31: {  	[smem:$0x3FB2] =	sst s10  }
0x32: {  	s10 =	sld [smem:$0x3FB0];
	_ =	sdelay $0x3  }
0x33: {  	p0 =	seq.s32 s10, $0x1;
	s10 =	sld [smem:$0x3FB2];
	_ =	sdelay $0x3  }
0x34: {  	[smem:$0x3FB2] =	sst s10  }
0x35: {  	s10 =	sld [smem:$0x3FB1];
	_ =	sdelay $0x3  }
0x36: {  	p1 =	seq.s32 s10, $0x1;
	s10 =	sld [smem:$0x3FB2];
	_ =	sdelay $0x3  }
0x37: {  	[smem:$0x3FB2] =	sst s10  }
0x38: {  	s10 =	sld [smem:$0x3FB3]  }
0x39: {  	_ = 	snop;
	(pc) =	sbr.ind lr, $3  }
0x3a: {  	_ = 	snop  }
0x3b: {  	_ = 	snop  }
0x3c: {  	p2 =	seq.s32 s10, $0x1;
	s10 =	sld [smem:$0x3FB2]  }
0x3d: {  	_ =	shalt  }
0x3e: {  	_ =	shalt  }
0x3f: {  	_ =	shalt  }
0x40: {  	_ =	shalt  }
0x41: {  	_ =	shalt  }
0x42: {  	_ =	shalt  }
0x43: {  	_ =	shalt  }
0x44: {  	_ =	shalt  }
0x45: {  	_ =	shalt  }
0x46: {  	_ =	shalt  }
0x47: {  	_ =	shalt  }
0x48: {  	_ =	shalt  }
0x49: {  	_ =	shalt  }
0x4a: {  	_ =	shalt  }
0x4b: {  	_ =	shalt  }
0x4c: {  	_ =	shalt  }
0x4d: {  	_ =	shalt  }
0x4e: {  	_ =	shalt  }
0x4f: {  	_ =	shalt  }
0x50: {  	_ =	shalt  }
0x51: {  	_ =	shalt  }
0x52: {  	_ =	shalt  }
0x53: {  	_ =	shalt  }
0x54: {  	_ =	shalt  }
0x55: {  	_ =	shalt  }
0x56: {  	_ =	shalt  }
0x57: {  	_ =	shalt  }
0x58: {  	_ =	shalt  }
0x59: {  	_ =	shalt  }
0x5a: {  	_ =	shalt  }
0x5b: {  	_ =	shalt  }
0x5c: {  	_ =	shalt  }
0x5d: {  	_ =	shalt  }
0x5e: {  	_ =	shalt  }
0x5f: {  	_ =	shalt  }
0x60: {  	_ =	shalt  }
0x61: {  	_ =	shalt  }
0x62: {  	_ =	shalt  }
0x63: {  	_ =	shalt  }
0x64: {  	_ =	shalt  }
0x65: {  	_ =	shalt  }
0x66: {  	_ =	shalt  }
0x67: {  	_ =	shalt  }
0x68: {  	_ =	shalt  }
0x69: {  	_ =	shalt  }
0x6a: {  	_ =	shalt  }
0x6b: {  	_ =	shalt  }
0x6c: {  	_ =	shalt  }
0x6d: {  	_ =	shalt  }
0x6e: {  	_ =	shalt  }
0x6f: {  	_ =	shalt  }
0x70: {  	_ =	shalt  }
0x71: {  	_ =	shalt  }
0x72: {  	_ =	shalt  }
0x73: {  	_ =	shalt  }
0x74: {  	_ =	shalt  }
0x75: {  	_ =	shalt  }
0x76: {  	_ =	shalt  }
0x77: {  	_ =	shalt  }
0x78: {  	_ =	shalt  }
0x79: {  	_ =	shalt  }
0x7a: {  	_ =	shalt  }
0x7b: {  	_ =	shalt  }
0x7c: {  	_ =	shalt  }
0x7d: {  	_ =	shalt  }
0x7e: {  	_ =	shalt  }
0x7f: {  	_ =	shalt  }
0x80: {  	_ =	shalt  }
0x81: {  	_ =	shalt  }
0x82: {  	_ =	shalt  }
0x83: {  	_ =	shalt  }
0x84: {  	_ =	shalt  }
0x85: {  	_ =	shalt  }
0x86: {  	_ =	shalt  }
0x87: {  	_ =	shalt  }
.Lfunc_end0:
.L_simem_size_0:
called_computation_lowered:
.L_overlay_start_0:
0x88: {  	s2 =	sld [smem:$0x3FD9]  }
0x89: {  	s3 =	sld [smem:$0x3FFE];
	_ =	sdelay $0x1  }
0x8a: {  	s1 =	srdreg.scid  }
0x8b: {  	s0 =	sand.u32 $0x1, s1  }
0x8c: {  	s17 =	sshll.u32 s0, $0xA;
	s2 =	sadd.s32 s3, s2  }
0x8d: {  	s2 =	sadd.s32 s2, s17  }
0x8e: {  	[smem:$0x3FBE] =	sst s2  }
0x8f: {  	_ = 	snop  }
0x90: {  	s2 =	sld [smem:$0x3FC9];
	(tm) =	ssettm $0x1  }
0x91: {  	s18 =	sld [smem:$0x3FFB];
	_ =	sdelay $0x3  }
0x92: {  	_ =	strace s18  }
0x93: {  	s3 =	sld [smem:$0x3FFC];
	_ =	sdelay $0x3  }
0x94: {  	_ =	strace s3  }
0x95: {  	s3 =	sld [smem:$0x3FFD];
	_ =	sdelay $0x3  }
0x96: {  	_ =	strace s3  }
0x97: {  	_ =	strace $0x8FFFFFFF  }
0x98: {  	s19 =	sld [smem:$0x3FDB];
	_ =	sdelay $0x1  }
0x99: {  	s4 =	simm.s32 $_scs_section_size  }
0x9a: {  	s5 =	simm.s32 $_size__tile_overlayer_lowered;
	s6 =	simm.s32 $_tile_overlayer_lowered  }
0x9b: {  	s22 =	simm.s32 $0x1BFF;
	s21 =	sshll.u32 s6, $0x1;
	s3 =	sadd.s32 s4, s19  }
0x9c: {  	s7 =	simm.s32 $0x0;
	s20 =	sshll.u32 s5, $0x1;
	s5 =	sadd.s32 s21, s3  }
0x9d: {  	[timem:s7], [sflag:s22] =	dma.local [hbm:s5], s20  }
0x9e: {  	_ =	swait.ge [sflag:s22], s20  }
0x9f: {  	s4 =	ssub.s32 $0x0, s20;
	[sflag:s22] =	ssyncset.done $0x0  }
0xa0: {  	[sflag:s22] =	ssyncadd.s32 s4;
	_ =	sdelay $0x1  }
0xa1: {  	s23 =	simm.s32 $0x1B8B  }
0xa2: {  	_ =	swait.ge [sflag:s23], $0x1  }
0xa3: {  	[sflag:s23] =	ssyncset.done $0x0  }
0xa4: {  	s25 =	simm.s32 $0x1B8E;
	s24 =	sld [smem:$0x3FFE];
	[sflag:s23] =	ssyncadd.s32 $0xFFFFFFFF  }
0xa5: {  	s26 =	simm.s32 $execute0_lowered;
	[smem:$0x3FD2] =	sst s25  }
0xa6: {  	s5 =	sshll.u32 s26, $0x1;
	_ =	strace $0x80000046;
	[dreg:$0x1] =	wrdreg $0xFFFFFFFF  }
0xa7: {  	s28 =	simm.s32 $_size_execute0_lowered;
	s3 =	sadd.s32 s3, s5;
	[dreg:$0x0] =	wrdreg $0x0  }
0xa8: {  	s5 =	sshll.u32 s28, $0x1;
	[dreg:$0x2] =	wrdreg s3  }
0xa9: {  	[dreg:$0x3] =	wrdreg s5  }
0xaa: {  	[dreg:$0x4] =	wrdreg $0xC0  }
0xab: {  	_ =	task [dreg:s7], $0x5FFFF  }
0xac: {  	[dreg:$0x1] =	wrdreg $0xFFFFFFFF  }
0xad: {  	[dreg:$0x0] =	wrdreg $0x60  }
0xae: {  	[dreg:$0x2] =	wrdreg s2  }
0xaf: {  	[dreg:$0x3] =	wrdreg s24  }
0xb0: {  	[dreg:$0x4] =	wrdreg $0x90000  }
0xb1: {  	[dreg:$0x5] =	wrdreg $0x9  }
0xb2: {  	_ =	task.clear_ibuf [dreg:s7], $0x6FFFF;
	_ =	strace $0x90000046  }
0xb3: {  	s29 =	simm.s32 $0x9;
	_ =	strace $0x80000048  }
0xb4: {  	_ =	swait.ge [sflag:s29], $0x1  }
0xb5: {  	[sflag:s29] =	ssyncadd.s32 $0xFFFFFFFF  }
0xb6: {  	_ =	strace $0x90000048  }
0xb7: {  	_ =	sfence  }
0xb8: {  	s30 =	sld [smem:$0x0];
	_ =	sdelay $0x2  }
0xb9: {  	s31 =	sshll.u32 s1, $0xD;
	s1 =	sshrl.u32 s1, $0x2  }
0xba: {  	s3 =	sand.u32 $0x4000, s31;
	s1 =	sadd.s32 s1, s30  }
0xbb: {  	s0 =	sor.u32 s3, s0;
	s1 =	sshll.u32 s1, $0x11  }
0xbc: {  	s0 =	sor.u32 s1, s0  }
0xbd: {  	s0 =	sadd.s32 $0x8F2B, s0  }
0xbe: {  	[sflag:s0] =	ssyncadd.remote.s32 $0x1  }
0xbf: {  	_ =	sfence.sel $0xFFFF  }
0xc0: {  	[dreg:$0x0] =	wrdreg $0xFFFFFFFF;
	(pc) =	sbr.abs _section_cstart, $3  }
0xc1: {  	[dreg:$0x1] =	wrdreg $0xFFFFFFFF  }
0xc2: {  	_ =	task.clear_ibuf [dreg:s7], $0x2FFFF;
	_ =	strace $0x9FFFFFFF  }
0xc3: {  	(tm) =	ssettm $0x7FFFFFFF  }
tec
execute0_lowered:
.L_overlay_start_1:
0x0: {  	(tag) =	ssettag $0x1  }
0x1: {  	s1 =	rddreg [dreg:$0x0];
	s0 =	srdreg.scid  }
0x2: {  	s2 =	rddreg [dreg:$0x1];
	s8 =	stileid.u32  }
0x3: {  	s3 =	rddreg [dreg:$0x2];
	s4 =	simm.s32 $0x0;
	s13 =	simm.s32 $0x100  }
0x4: {  	s14 =	simm.s32 $0x880;
	s16 =	simm.s32 $0x180;
	s18 =	simm.s32 $0x900  }
0x5: {  	s19 =	simm.s32 $0x200;
	s20 =	simm.s32 $0x980;
	[smem:$0x7FF] =	sst s4  }
0x6: {  	s21 =	simm.s32 $0x280;
	_ =	strace $0x80000047;
	[dreg:$0x6] =	wrdreg s13  }
0x7: {  	s22 =	simm.s32 $0xA00;
	s23 =	simm.s32 $0x300;
	[dreg:$0x7] =	wrdreg s14  }
0x8: {  	s24 =	simm.s32 $0xA80;
	s25 =	simm.s32 $0x380;
	[dreg:$0x8] =	wrdreg s16  }
0x9: {  	s28 =	simm.s32 $0x600;
	s6 =	smul.u32 $0x2800, s8;
	[dreg:$0x9] =	wrdreg s18  }
0xa: {  	s29 =	simm.s32 $0xD80;
	s26 =	smul.u32 $0x14000, s8;
	[dreg:$0xa] =	wrdreg s19  }
0xb: {  	s0 =	sand.u32 $0x1, s0;
	s8 =	smul.u32 $0x50000, s8;
	[dreg:$0xb] =	wrdreg s20  }
0xc: {  	s30 =	simm.s32 $0x680;
	s5 =	smul.u32 $0x28000, s0;
	[dreg:$0xc] =	wrdreg s21  }
0xd: {  	s31 =	simm.s32 $0xE00;
	s7 =	smul.u32 $0x140000, s0;
	[dreg:$0xd] =	wrdreg s22  }
0xe: {  	s0 =	ssub.s32 $0x2, s0;
	s13 =	simm.s32 $0x3;
	[dreg:$0xe] =	wrdreg s23  }
0xf: {  	s14 =	simm.s32 $0x800;
	[dreg:$0xf] =	wrdreg s24;
	s16 =	simm.s32 $0x5000  }
0x10: {  	[dreg:$0x10] =	wrdreg s25;
	s18 =	simm.s32 $0x2;
	s19 =	simm.s32 $0x400  }
0x11: {  	s20 =	simm.s32 $0xB80;
	s21 =	simm.s32 $0x480;
	s22 =	simm.s32 $0xC00  }
0x12: {  	s23 =	simm.s32 $0x500;
	s24 =	simm.s32 $0xC80;
	s25 =	simm.s32 $0x580  }
0x13: {  	s9 =	sshrl.u32 s0, $0x1;
	s11 =	sshrl.u32 s8, $0x2;
	s8 =	simm.s32 $0xF80  }
0x14: {  	s5 =	sadd.s32 s6, s5;
	s6 =	sadd.s32 s26, s7;
	s0 =	ssub.s32 s0, s9  }
0x15: {  	s12 =	sadd.s32 s11, s3;
	s26 =	simm.s32 $0xB00;
	s9 =	simm.s32 $0x0  }
0x16: {  	s5 =	sshrl.u32 s5, $0x3;
	s6 =	sshrl.u32 s6, $0x3;
	[dreg:$0x12] =	wrdreg s12  }
0x17: {  	s7 =	sadd.s32 $0x4000, s12;
	s15 =	sadd.s32 $0x8000, s12;
	[dreg:$0x11] =	wrdreg s26  }
0x18: {  	s17 =	sadd.s32 $0xC000, s12;
	s0 =	smax.u32 s0, $0x1;
	[dreg:$0x13] =	wrdreg s7  }
0x19: {  	s26 =	simm.s32 $0xD00;
	s5 =	sadd.s32 s5, s2;
	[dreg:$0x14] =	wrdreg s15  }
0x1a: {  	s2 =	sadd.s32 s6, s2;
	[dreg:$0x15] =	wrdreg s17;
	s6 =	sadd.s32 $0x10000, s12  }
0x1b: {  	[dreg:$0x18] =	wrdreg s0;
	s12 =	simm.s32 $0x1000;
	s15 =	simm.s32 $0x80  }
0x1c: {  	s17 =	simm.s32 $0x1;
	s10 =	sadd.s32 $0x2000, s5;
	[dreg:$0x16] =	wrdreg s6  }
0x1d: {  	s0 =	simm.s32 $0xE80;
	s5 =	sadd.s32 $0xC000, s5;
	[dreg:$0x4] =	wrdreg s10  }
0x1e: {  	s7 =	simm.s32 $0xF00;
	s2 =	sadd.s32 $0x16000, s2;
	[dreg:$0x5] =	wrdreg s5  }
0x1f: {  	v0 =	vimm.f32 $0.0e+00;
	s6 =	simm.s32 $0x780;
	[dreg:$0x17] =	wrdreg s2;
	s2 =	simm.s32 $0x700  }
.LBB2_1:
0x20: {  	s10 =	simm.s32 $0x0;
	s11 =	simm.s32 $0x200  }
.LBB2_2:
0x21: {  	p0 =	sne.s32 s11, $0xFE00;
	[tilespmem:s10+$0x1070] =	vst v0  }
0x22: {  	[tilespmem:s10+$0x1000] =	vst v0  }
0x23: {  	[tilespmem:s10+$0x1010] =	vst v0  }
.Ltmp0:
0x24: {  	[tilespmem:s10+$0x1020] =	vst v0;
	(pc) =	sbr.rel @p0 .LBB2_2-.Ltmp0, $4  }
0x25: {  	[tilespmem:s10+$0x1030] =	vst v0  }
0x26: {  	[tilespmem:s10+$0x1040] =	vst v0  }
0x27: {  	[tilespmem:s10+$0x1050] =	vst v0  }
0x28: {  	[tilespmem:s10+$0x1060] =	vst v0;
	s10 =	sshra.s32 s11, $0x2;
	s11 =	sadd.s32 $0x200, s11  }
0x29: {  	[tilespmem:s10+$0x1070] =	vst v0  }
0x2a: {  	[tilespmem:s10+$0x1000] =	vst v0  }
0x2b: {  	[tilespmem:s10+$0x1010] =	vst v0  }
0x2c: {  	[tilespmem:s10+$0x1020] =	vst v0  }
0x2d: {  	[tilespmem:s10+$0x1030] =	vst v0  }
0x2e: {  	[tilespmem:s10+$0x1040] =	vst v0  }
0x2f: {  	[dreg:$0x19] =	wrdreg s9;
	[tilespmem:s10+$0x1050] =	vst v0  }
0x30: {  	[tilespmem:s10+$0x1060] =	vst v0;
	s5 =	rddreg [dreg:$0x12]  }
0x31: {  	[spmem:s5] =	stream.linear.scatter [tilespmem:s12], [sflag:$0x3], $0x4000, $0x38;
	[tilespmem:$0x1D000] =	vst v63  }
0x32: {  	_ =	swait.ge [sflag:s13], $0x4000  }
0x33: {  	[sflag:s13] =	ssyncset.done $0x0  }
0x34: {  	s9 =	rddreg [dreg:$0x13];
	[sflag:s13] =	ssyncadd.s32 $0xFFFFC000  }
0x35: {  	[spmem:s9] =	stream.linear.scatter [tilespmem:s12], [sflag:$0x3], $0x4000, $0x38;
	[tilespmem:$0x1D000] =	vst v63  }
0x36: {  	_ =	swait.ge [sflag:s13], $0x4000  }
0x37: {  	[sflag:s13] =	ssyncset.done $0x0  }
0x38: {  	s10 =	rddreg [dreg:$0x14];
	[sflag:s13] =	ssyncadd.s32 $0xFFFFC000  }
0x39: {  	[spmem:s10] =	stream.linear.scatter [tilespmem:s12], [sflag:$0x3], $0x4000, $0x38;
	[tilespmem:$0x1D000] =	vst v63  }
0x3a: {  	_ =	swait.ge [sflag:s13], $0x4000  }
0x3b: {  	[sflag:s13] =	ssyncset.done $0x0  }
0x3c: {  	s11 =	rddreg [dreg:$0x15];
	[sflag:s13] =	ssyncadd.s32 $0xFFFFC000  }
0x3d: {  	[spmem:s11] =	stream.linear.scatter [tilespmem:s12], [sflag:$0x3], $0x4000, $0x38;
	[tilespmem:$0x1D000] =	vst v63  }
0x3e: {  	_ =	swait.ge [sflag:s13], $0x4000  }
0x3f: {  	[sflag:s13] =	ssyncset.done $0x0  }
0x40: {  	s9 =	rddreg [dreg:$0x16];
	[sflag:s13] =	ssyncadd.s32 $0xFFFFC000  }
0x41: {  	[spmem:s9] =	stream.linear.scatter [tilespmem:s12], [sflag:$0x3], $0x4000, $0x38;
	[tilespmem:$0x1D000] =	vst v63  }
0x42: {  	_ =	swait.ge [sflag:s13], $0x4000  }
0x43: {  	[sflag:s13] =	ssyncset.done $0x0  }
0x44: {  	[sflag:s13] =	ssyncadd.s32 $0xFFFFC000  }
0x45: {  	[bflag:$0x0] =	sbarrier.arrive $0xFFFF  }
0x46: {  	s10 =	rddreg [dreg:$0x5]  }
0x47: {  	s5 =	sadd.s32 $0x0, s10  }
0x48: {  	[tilespmem:s4], [sflag:$0x3] =	stream.linear.gather [hbm4b:s5+s4], $0x800, $0x38;
	[tilespmem:$0x1D000] =	vst v63  }
0x49: {  	_ =	swait.ge [sflag:s13], $0x800  }
0x4a: {  	s11 =	rddreg [dreg:$0x4];
	[sflag:s13] =	ssyncset.done $0x0  }
0x4b: {  	[sflag:s13] =	ssyncadd.s32 $0xFFFFF800;
	s5 =	sadd.s32 $0x0, s11  }
0x4c: {  	[tilespmem:s14], [sflag:$0x3] =	stream.linear.gather [hbm4b:s5+s4], $0x800, $0x38;
	[tilespmem:$0x1D000] =	vst v63  }
0x4d: {  	_ =	swait.ge [sflag:s13], $0x800  }
0x4e: {  	[sflag:s13] =	ssyncset.done $0x0  }
0x4f: {  	[sflag:s13] =	ssyncadd.s32 $0xFFFFF800  }
0x50: {  	[tilespmem:s12], [sflag:$0x1] =	stream.indirect.gather [hbm4b:s1+s15], $0x80, s4, s15, $0xb8;
	[tilespmem:$0x1D000] =	vst v63  }
0x51: {  	_ = 	snop  }
0x52: {  	[tilespmem:s16], [sflag:$0x2] =	stream.indirect.gather [hbm4b:s1+s15], $0x80, s15, s15, $0xb8;
	[tilespmem:$0x1D000] =	vst v63  }
0x53: {  	_ =	swait.ge [sflag:s17], $0x4000  }
0x54: {  	[sflag:s17] =	ssyncset.done $0x0  }
0x55: {  	[sflag:s17] =	ssyncadd.s32 $0xFFFFC000  }
0x56: {  	[spmem:s3] =	stream.indirect.scatter.add.f32 [tilespmem:s12], [sflag:$0x3], $0x80, s14, s15, $0xb8;
	[tilespmem:$0x1D000] =	vst v63  }
0x57: {  	_ =	swait.ge [sflag:s13], $0x4000  }
0x58: {  	[sflag:s13] =	ssyncset.done $0x0  }
0x59: {  	s9 =	rddreg [dreg:$0x6];
	[sflag:s13] =	ssyncadd.s32 $0xFFFFC000  }
0x5a: {  	[tilespmem:s12], [sflag:$0x1] =	stream.indirect.gather [hbm4b:s1+s15], $0x80, s9, s15, $0xb8;
	[tilespmem:$0x1D000] =	vst v63  }
0x5b: {  	_ =	swait.ge [sflag:s18], $0x4000  }
0x5c: {  	[sflag:s18] =	ssyncset.done $0x0  }
0x5d: {  	s10 =	rddreg [dreg:$0x7];
	[sflag:s18] =	ssyncadd.s32 $0xFFFFC000  }
0x5e: {  	[spmem:s3] =	stream.indirect.scatter.add.f32 [tilespmem:s16], [sflag:$0x3], $0x80, s10, s15, $0xb8;
	[tilespmem:$0x1D000] =	vst v63  }
0x5f: {  	_ =	swait.ge [sflag:s13], $0x4000  }
0x60: {  	[sflag:s13] =	ssyncset.done $0x0  }
0x61: {  	s11 =	rddreg [dreg:$0x8];
	[sflag:s13] =	ssyncadd.s32 $0xFFFFC000  }
0x62: {  	[tilespmem:s16], [sflag:$0x2] =	stream.indirect.gather [hbm4b:s1+s15], $0x80, s11, s15, $0xb8;
	[tilespmem:$0x1D000] =	vst v63  }
0x63: {  	_ =	swait.ge [sflag:s17], $0x4000  }
0x64: {  	[sflag:s17] =	ssyncset.done $0x0  }
0x65: {  	s9 =	rddreg [dreg:$0x9];
	[sflag:s17] =	ssyncadd.s32 $0xFFFFC000  }
0x66: {  	[spmem:s3] =	stream.indirect.scatter.add.f32 [tilespmem:s12], [sflag:$0x3], $0x80, s9, s15, $0xb8;
	[tilespmem:$0x1D000] =	vst v63  }
0x67: {  	_ =	swait.ge [sflag:s13], $0x4000  }
0x68: {  	[sflag:s13] =	ssyncset.done $0x0  }
0x69: {  	s10 =	rddreg [dreg:$0xa];
	[sflag:s13] =	ssyncadd.s32 $0xFFFFC000  }
0x6a: {  	[tilespmem:s12], [sflag:$0x1] =	stream.indirect.gather [hbm4b:s1+s15], $0x80, s10, s15, $0xb8;
	[tilespmem:$0x1D000] =	vst v63  }
0x6b: {  	_ =	swait.ge [sflag:s18], $0x4000  }
0x6c: {  	[sflag:s18] =	ssyncset.done $0x0  }
0x6d: {  	s11 =	rddreg [dreg:$0xb];
	[sflag:s18] =	ssyncadd.s32 $0xFFFFC000  }
0x6e: {  	[spmem:s3] =	stream.indirect.scatter.add.f32 [tilespmem:s16], [sflag:$0x3], $0x80, s11, s15, $0xb8;
	[tilespmem:$0x1D000] =	vst v63  }
0x6f: {  	_ =	swait.ge [sflag:s13], $0x4000  }
0x70: {  	[sflag:s13] =	ssyncset.done $0x0  }
0x71: {  	s9 =	rddreg [dreg:$0xc];
	[sflag:s13] =	ssyncadd.s32 $0xFFFFC000  }
0x72: {  	[tilespmem:s16], [sflag:$0x2] =	stream.indirect.gather [hbm4b:s1+s15], $0x80, s9, s15, $0xb8;
	[tilespmem:$0x1D000] =	vst v63  }
0x73: {  	_ =	swait.ge [sflag:s17], $0x4000  }
0x74: {  	[sflag:s17] =	ssyncset.done $0x0  }
0x75: {  	s10 =	rddreg [dreg:$0xd];
	[sflag:s17] =	ssyncadd.s32 $0xFFFFC000  }
0x76: {  	[spmem:s3] =	stream.indirect.scatter.add.f32 [tilespmem:s12], [sflag:$0x3], $0x80, s10, s15, $0xb8;
	[tilespmem:$0x1D000] =	vst v63  }
0x77: {  	_ =	swait.ge [sflag:s13], $0x4000  }
0x78: {  	[sflag:s13] =	ssyncset.done $0x0  }
0x79: {  	s11 =	rddreg [dreg:$0xe];
	[sflag:s13] =	ssyncadd.s32 $0xFFFFC000  }
0x7a: {  	[tilespmem:s12], [sflag:$0x1] =	stream.indirect.gather [hbm4b:s1+s15], $0x80, s11, s15, $0xb8;
	[tilespmem:$0x1D000] =	vst v63  }
0x7b: {  	_ =	swait.ge [sflag:s18], $0x4000  }
0x7c: {  	[sflag:s18] =	ssyncset.done $0x0  }
0x7d: {  	s9 =	rddreg [dreg:$0xf];
	[sflag:s18] =	ssyncadd.s32 $0xFFFFC000  }
0x7e: {  	[spmem:s3] =	stream.indirect.scatter.add.f32 [tilespmem:s16], [sflag:$0x3], $0x80, s9, s15, $0xb8;
	[tilespmem:$0x1D000] =	vst v63  }
0x7f: {  	_ =	swait.ge [sflag:s13], $0x4000  }
0x80: {  	[sflag:s13] =	ssyncset.done $0x0  }
0x81: {  	s10 =	rddreg [dreg:$0x10];
	[sflag:s13] =	ssyncadd.s32 $0xFFFFC000  }
0x82: {  	[tilespmem:s16], [sflag:$0x2] =	stream.indirect.gather [hbm4b:s1+s15], $0x80, s10, s15, $0xb8;
	[tilespmem:$0x1D000] =	vst v63  }
0x83: {  	_ =	swait.ge [sflag:s17], $0x4000  }
0x84: {  	[sflag:s17] =	ssyncset.done $0x0  }
0x85: {  	s11 =	rddreg [dreg:$0x11];
	[sflag:s17] =	ssyncadd.s32 $0xFFFFC000  }
0x86: {  	[spmem:s3] =	stream.indirect.scatter.add.f32 [tilespmem:s12], [sflag:$0x3], $0x80, s11, s15, $0xb8;
	[tilespmem:$0x1D000] =	vst v63  }
0x87: {  	_ =	swait.ge [sflag:s13], $0x4000  }
0x88: {  	[sflag:s13] =	ssyncset.done $0x0  }
0x89: {  	[sflag:s13] =	ssyncadd.s32 $0xFFFFC000  }
0x8a: {  	[tilespmem:s12], [sflag:$0x1] =	stream.indirect.gather [hbm4b:s1+s15], $0x80, s19, s15, $0xb8;
	[tilespmem:$0x1D000] =	vst v63  }
0x8b: {  	_ =	swait.ge [sflag:s18], $0x4000  }
0x8c: {  	[sflag:s18] =	ssyncset.done $0x0  }
0x8d: {  	[sflag:s18] =	ssyncadd.s32 $0xFFFFC000  }
0x8e: {  	[spmem:s3] =	stream.indirect.scatter.add.f32 [tilespmem:s16], [sflag:$0x3], $0x80, s20, s15, $0xb8;
	[tilespmem:$0x1D000] =	vst v63  }
0x8f: {  	_ =	swait.ge [sflag:s13], $0x4000  }
0x90: {  	[sflag:s13] =	ssyncset.done $0x0  }
0x91: {  	[sflag:s13] =	ssyncadd.s32 $0xFFFFC000  }
0x92: {  	[tilespmem:s16], [sflag:$0x2] =	stream.indirect.gather [hbm4b:s1+s15], $0x80, s21, s15, $0xb8;
	[tilespmem:$0x1D000] =	vst v63  }
0x93: {  	_ =	swait.ge [sflag:s17], $0x4000  }
0x94: {  	[sflag:s17] =	ssyncset.done $0x0  }
0x95: {  	[sflag:s17] =	ssyncadd.s32 $0xFFFFC000  }
0x96: {  	[spmem:s3] =	stream.indirect.scatter.add.f32 [tilespmem:s12], [sflag:$0x3], $0x80, s22, s15, $0xb8;
	[tilespmem:$0x1D000] =	vst v63  }
0x97: {  	_ =	swait.ge [sflag:s13], $0x4000  }
0x98: {  	[sflag:s13] =	ssyncset.done $0x0  }
0x99: {  	[sflag:s13] =	ssyncadd.s32 $0xFFFFC000  }
0x9a: {  	[tilespmem:s12], [sflag:$0x1] =	stream.indirect.gather [hbm4b:s1+s15], $0x80, s23, s15, $0xb8;
	[tilespmem:$0x1D000] =	vst v63  }
0x9b: {  	_ =	swait.ge [sflag:s18], $0x4000  }
0x9c: {  	[sflag:s18] =	ssyncset.done $0x0  }
0x9d: {  	[sflag:s18] =	ssyncadd.s32 $0xFFFFC000  }
0x9e: {  	[spmem:s3] =	stream.indirect.scatter.add.f32 [tilespmem:s16], [sflag:$0x3], $0x80, s24, s15, $0xb8;
	[tilespmem:$0x1D000] =	vst v63  }
0x9f: {  	_ =	swait.ge [sflag:s13], $0x4000  }
0xa0: {  	[sflag:s13] =	ssyncset.done $0x0  }
0xa1: {  	[sflag:s13] =	ssyncadd.s32 $0xFFFFC000  }
0xa2: {  	[tilespmem:s16], [sflag:$0x2] =	stream.indirect.gather [hbm4b:s1+s15], $0x80, s25, s15, $0xb8;
	[tilespmem:$0x1D000] =	vst v63  }
0xa3: {  	_ =	swait.ge [sflag:s17], $0x4000  }
0xa4: {  	[sflag:s17] =	ssyncset.done $0x0  }
0xa5: {  	[sflag:s17] =	ssyncadd.s32 $0xFFFFC000  }
0xa6: {  	[spmem:s3] =	stream.indirect.scatter.add.f32 [tilespmem:s12], [sflag:$0x3], $0x80, s26, s15, $0xb8;
	[tilespmem:$0x1D000] =	vst v63  }
0xa7: {  	_ =	swait.ge [sflag:s13], $0x4000  }
0xa8: {  	[sflag:s13] =	ssyncset.done $0x0  }
0xa9: {  	[sflag:s13] =	ssyncadd.s32 $0xFFFFC000  }
0xaa: {  	[tilespmem:s12], [sflag:$0x1] =	stream.indirect.gather [hbm4b:s1+s15], $0x80, s28, s15, $0xb8;
	[tilespmem:$0x1D000] =	vst v63  }
0xab: {  	_ =	swait.ge [sflag:s18], $0x4000  }
0xac: {  	[sflag:s18] =	ssyncset.done $0x0  }
0xad: {  	[sflag:s18] =	ssyncadd.s32 $0xFFFFC000  }
0xae: {  	[spmem:s3] =	stream.indirect.scatter.add.f32 [tilespmem:s16], [sflag:$0x3], $0x80, s29, s15, $0xb8;
	[tilespmem:$0x1D000] =	vst v63  }
0xaf: {  	_ =	swait.ge [sflag:s13], $0x4000  }
0xb0: {  	[sflag:s13] =	ssyncset.done $0x0  }
0xb1: {  	[sflag:s13] =	ssyncadd.s32 $0xFFFFC000  }
0xb2: {  	[tilespmem:s16], [sflag:$0x2] =	stream.indirect.gather [hbm4b:s1+s15], $0x80, s30, s15, $0xb8;
	[tilespmem:$0x1D000] =	vst v63  }
0xb3: {  	_ =	swait.ge [sflag:s17], $0x4000  }
0xb4: {  	[sflag:s17] =	ssyncset.done $0x0  }
0xb5: {  	[sflag:s17] =	ssyncadd.s32 $0xFFFFC000  }
0xb6: {  	[spmem:s3] =	stream.indirect.scatter.add.f32 [tilespmem:s12], [sflag:$0x3], $0x80, s31, s15, $0xb8;
	[tilespmem:$0x1D000] =	vst v63  }
0xb7: {  	_ =	swait.ge [sflag:s13], $0x4000  }
0xb8: {  	[sflag:s13] =	ssyncset.done $0x0  }
0xb9: {  	[sflag:s13] =	ssyncadd.s32 $0xFFFFC000  }
0xba: {  	[tilespmem:s12], [sflag:$0x1] =	stream.indirect.gather [hbm4b:s1+s15], $0x80, s2, s15, $0xb8;
	[tilespmem:$0x1D000] =	vst v63  }
0xbb: {  	_ =	swait.ge [sflag:s18], $0x4000  }
0xbc: {  	[sflag:s18] =	ssyncset.done $0x0  }
0xbd: {  	[sflag:s18] =	ssyncadd.s32 $0xFFFFC000  }
0xbe: {  	[spmem:s3] =	stream.indirect.scatter.add.f32 [tilespmem:s16], [sflag:$0x3], $0x80, s0, s15, $0xb8;
	[tilespmem:$0x1D000] =	vst v63  }
0xbf: {  	_ =	swait.ge [sflag:s13], $0x4000  }
0xc0: {  	[sflag:s13] =	ssyncset.done $0x0  }
0xc1: {  	[sflag:s13] =	ssyncadd.s32 $0xFFFFC000  }
0xc2: {  	[tilespmem:s16], [sflag:$0x2] =	stream.indirect.gather [hbm4b:s1+s15], $0x80, s6, s15, $0xb8;
	[tilespmem:$0x1D000] =	vst v63  }
0xc3: {  	_ =	swait.ge [sflag:s17], $0x4000  }
0xc4: {  	[sflag:s17] =	ssyncset.done $0x0  }
0xc5: {  	[sflag:s17] =	ssyncadd.s32 $0xFFFFC000  }
0xc6: {  	[spmem:s3] =	stream.indirect.scatter.add.f32 [tilespmem:s12], [sflag:$0x3], $0x80, s7, s15, $0xb8;
	[tilespmem:$0x1D000] =	vst v63  }
0xc7: {  	_ =	swait.ge [sflag:s13], $0x4000  }
0xc8: {  	[sflag:s13] =	ssyncset.done $0x0  }
0xc9: {  	[sflag:s13] =	ssyncadd.s32 $0xFFFFC000  }
0xca: {  	_ =	swait.ge [sflag:s18], $0x4000  }
0xcb: {  	[sflag:s18] =	ssyncset.done $0x0  }
0xcc: {  	[sflag:s18] =	ssyncadd.s32 $0xFFFFC000  }
0xcd: {  	[spmem:s3] =	stream.indirect.scatter.add.f32 [tilespmem:s16], [sflag:$0x3], $0x80, s8, s15, $0xb8;
	[tilespmem:$0x1D000] =	vst v63  }
0xce: {  	s10 =	simm.s32 $0x100;
	_ =	swait.ge [sflag:s13], $0x4000  }
0xcf: {  	s11 =	simm.s32 $0x200;
	s5 =	rddreg [dreg:$0x5];
	[sflag:s13] =	ssyncset.done $0x0  }
.LBB2_4:
0xd0: {  	[sflag:s13] =	ssyncadd.s32 $0xFFFFC000;
	s5 =	sadd.s32 s10, s5  }
0xd1: {  	[tilespmem:s4], [sflag:$0x3] =	stream.linear.gather [hbm4b:s5+s4], $0x800, $0x38;
	[tilespmem:$0x1D000] =	vst v63  }
0xd2: {  	_ =	swait.ge [sflag:s13], $0x800  }
0xd3: {  	s5 =	rddreg [dreg:$0x4];
	[sflag:s13] =	ssyncset.done $0x0  }
0xd4: {  	[sflag:s13] =	ssyncadd.s32 $0xFFFFF800;
	s5 =	sadd.s32 s10, s5  }
0xd5: {  	[tilespmem:s14], [sflag:$0x3] =	stream.linear.gather [hbm4b:s5+s4], $0x800, $0x38;
	[tilespmem:$0x1D000] =	vst v63  }
0xd6: {  	_ =	swait.ge [sflag:s13], $0x800  }
0xd7: {  	[sflag:s13] =	ssyncset.done $0x0  }
0xd8: {  	[sflag:s13] =	ssyncadd.s32 $0xFFFFF800  }
0xd9: {  	[tilespmem:s12], [sflag:$0x1] =	stream.indirect.gather [hbm4b:s1+s15], $0x80, s4, s15, $0xb8;
	[tilespmem:$0x1D000] =	vst v63  }
0xda: {  	_ = 	snop  }
0xdb: {  	[tilespmem:s16], [sflag:$0x2] =	stream.indirect.gather [hbm4b:s1+s15], $0x80, s15, s15, $0xb8;
	[tilespmem:$0x1D000] =	vst v63  }
0xdc: {  	_ =	swait.ge [sflag:s17], $0x4000  }
0xdd: {  	[sflag:s17] =	ssyncset.done $0x0  }
0xde: {  	[sflag:s17] =	ssyncadd.s32 $0xFFFFC000  }
0xdf: {  	[spmem:s3] =	stream.indirect.scatter.add.f32 [tilespmem:s12], [sflag:$0x3], $0x80, s14, s15, $0xb8;
	[tilespmem:$0x1D000] =	vst v63  }
0xe0: {  	_ =	swait.ge [sflag:s13], $0x4000  }
0xe1: {  	s9 =	smov.u32 s11;
	[sflag:s13] =	ssyncset.done $0x0  }
0xe2: {  	s10 =	smov.u32 s9;
	s9 =	rddreg [dreg:$0x6];
	[sflag:s13] =	ssyncadd.s32 $0xFFFFC000  }
0xe3: {  	[tilespmem:s12], [sflag:$0x1] =	stream.indirect.gather [hbm4b:s1+s15], $0x80, s9, s15, $0xb8;
	[tilespmem:$0x1D000] =	vst v63  }
0xe4: {  	_ =	swait.ge [sflag:s18], $0x4000  }
0xe5: {  	[sflag:s18] =	ssyncset.done $0x0  }
0xe6: {  	s9 =	rddreg [dreg:$0x7];
	[sflag:s18] =	ssyncadd.s32 $0xFFFFC000  }
0xe7: {  	[spmem:s3] =	stream.indirect.scatter.add.f32 [tilespmem:s16], [sflag:$0x3], $0x80, s9, s15, $0xb8;
	[tilespmem:$0x1D000] =	vst v63  }
0xe8: {  	_ =	swait.ge [sflag:s13], $0x4000  }
0xe9: {  	[sflag:s13] =	ssyncset.done $0x0  }
0xea: {  	s9 =	rddreg [dreg:$0x8];
	[sflag:s13] =	ssyncadd.s32 $0xFFFFC000  }
0xeb: {  	[tilespmem:s16], [sflag:$0x2] =	stream.indirect.gather [hbm4b:s1+s15], $0x80, s9, s15, $0xb8;
	[tilespmem:$0x1D000] =	vst v63  }
0xec: {  	_ =	swait.ge [sflag:s17], $0x4000  }
0xed: {  	[sflag:s17] =	ssyncset.done $0x0  }
0xee: {  	s9 =	rddreg [dreg:$0x9];
	[sflag:s17] =	ssyncadd.s32 $0xFFFFC000  }
0xef: {  	[spmem:s3] =	stream.indirect.scatter.add.f32 [tilespmem:s12], [sflag:$0x3], $0x80, s9, s15, $0xb8;
	[tilespmem:$0x1D000] =	vst v63  }
0xf0: {  	_ =	swait.ge [sflag:s13], $0x4000  }
0xf1: {  	[sflag:s13] =	ssyncset.done $0x0  }
0xf2: {  	s9 =	rddreg [dreg:$0xa];
	[sflag:s13] =	ssyncadd.s32 $0xFFFFC000  }
0xf3: {  	[tilespmem:s12], [sflag:$0x1] =	stream.indirect.gather [hbm4b:s1+s15], $0x80, s9, s15, $0xb8;
	[tilespmem:$0x1D000] =	vst v63  }
0xf4: {  	_ =	swait.ge [sflag:s18], $0x4000  }
0xf5: {  	[sflag:s18] =	ssyncset.done $0x0  }
0xf6: {  	s9 =	rddreg [dreg:$0xb];
	[sflag:s18] =	ssyncadd.s32 $0xFFFFC000  }
0xf7: {  	[spmem:s3] =	stream.indirect.scatter.add.f32 [tilespmem:s16], [sflag:$0x3], $0x80, s9, s15, $0xb8;
	[tilespmem:$0x1D000] =	vst v63  }
0xf8: {  	_ =	swait.ge [sflag:s13], $0x4000  }
0xf9: {  	[sflag:s13] =	ssyncset.done $0x0  }
0xfa: {  	s9 =	rddreg [dreg:$0xc];
	[sflag:s13] =	ssyncadd.s32 $0xFFFFC000  }
0xfb: {  	[tilespmem:s16], [sflag:$0x2] =	stream.indirect.gather [hbm4b:s1+s15], $0x80, s9, s15, $0xb8;
	[tilespmem:$0x1D000] =	vst v63  }
0xfc: {  	_ =	swait.ge [sflag:s17], $0x4000  }
0xfd: {  	[sflag:s17] =	ssyncset.done $0x0  }
0xfe: {  	s9 =	rddreg [dreg:$0xd];
	[sflag:s17] =	ssyncadd.s32 $0xFFFFC000  }
0xff: {  	[spmem:s3] =	stream.indirect.scatter.add.f32 [tilespmem:s12], [sflag:$0x3], $0x80, s9, s15, $0xb8;
	[tilespmem:$0x1D000] =	vst v63  }
0x100: {  	_ =	swait.ge [sflag:s13], $0x4000  }
0x101: {  	[sflag:s13] =	ssyncset.done $0x0  }
0x102: {  	s9 =	rddreg [dreg:$0xe];
	[sflag:s13] =	ssyncadd.s32 $0xFFFFC000  }
0x103: {  	[tilespmem:s12], [sflag:$0x1] =	stream.indirect.gather [hbm4b:s1+s15], $0x80, s9, s15, $0xb8;
	[tilespmem:$0x1D000] =	vst v63  }
0x104: {  	_ =	swait.ge [sflag:s18], $0x4000  }
0x105: {  	[sflag:s18] =	ssyncset.done $0x0  }
0x106: {  	s9 =	rddreg [dreg:$0xf];
	[sflag:s18] =	ssyncadd.s32 $0xFFFFC000  }
0x107: {  	[spmem:s3] =	stream.indirect.scatter.add.f32 [tilespmem:s16], [sflag:$0x3], $0x80, s9, s15, $0xb8;
	[tilespmem:$0x1D000] =	vst v63  }
0x108: {  	_ =	swait.ge [sflag:s13], $0x4000  }
0x109: {  	[sflag:s13] =	ssyncset.done $0x0  }
0x10a: {  	s9 =	rddreg [dreg:$0x10];
	[sflag:s13] =	ssyncadd.s32 $0xFFFFC000  }
0x10b: {  	[tilespmem:s16], [sflag:$0x2] =	stream.indirect.gather [hbm4b:s1+s15], $0x80, s9, s15, $0xb8;
	[tilespmem:$0x1D000] =	vst v63  }
0x10c: {  	_ =	swait.ge [sflag:s17], $0x4000  }
0x10d: {  	[sflag:s17] =	ssyncset.done $0x0  }
0x10e: {  	s9 =	rddreg [dreg:$0x11];
	[sflag:s17] =	ssyncadd.s32 $0xFFFFC000  }
0x10f: {  	[spmem:s3] =	stream.indirect.scatter.add.f32 [tilespmem:s12], [sflag:$0x3], $0x80, s9, s15, $0xb8;
	[tilespmem:$0x1D000] =	vst v63  }
0x110: {  	_ =	swait.ge [sflag:s13], $0x4000  }
0x111: {  	[sflag:s13] =	ssyncset.done $0x0  }
0x112: {  	[sflag:s13] =	ssyncadd.s32 $0xFFFFC000  }
0x113: {  	[tilespmem:s12], [sflag:$0x1] =	stream.indirect.gather [hbm4b:s1+s15], $0x80, s19, s15, $0xb8;
	[tilespmem:$0x1D000] =	vst v63  }
0x114: {  	_ =	swait.ge [sflag:s18], $0x4000  }
0x115: {  	[sflag:s18] =	ssyncset.done $0x0  }
0x116: {  	[sflag:s18] =	ssyncadd.s32 $0xFFFFC000  }
0x117: {  	[spmem:s3] =	stream.indirect.scatter.add.f32 [tilespmem:s16], [sflag:$0x3], $0x80, s20, s15, $0xb8;
	[tilespmem:$0x1D000] =	vst v63  }
0x118: {  	_ =	swait.ge [sflag:s13], $0x4000  }
0x119: {  	[sflag:s13] =	ssyncset.done $0x0  }
0x11a: {  	[sflag:s13] =	ssyncadd.s32 $0xFFFFC000  }
0x11b: {  	[tilespmem:s16], [sflag:$0x2] =	stream.indirect.gather [hbm4b:s1+s15], $0x80, s21, s15, $0xb8;
	[tilespmem:$0x1D000] =	vst v63  }
0x11c: {  	_ =	swait.ge [sflag:s17], $0x4000  }
0x11d: {  	[sflag:s17] =	ssyncset.done $0x0  }
0x11e: {  	[sflag:s17] =	ssyncadd.s32 $0xFFFFC000  }
0x11f: {  	[spmem:s3] =	stream.indirect.scatter.add.f32 [tilespmem:s12], [sflag:$0x3], $0x80, s22, s15, $0xb8;
	[tilespmem:$0x1D000] =	vst v63  }
0x120: {  	_ =	swait.ge [sflag:s13], $0x4000  }
0x121: {  	[sflag:s13] =	ssyncset.done $0x0  }
0x122: {  	[sflag:s13] =	ssyncadd.s32 $0xFFFFC000  }
0x123: {  	[tilespmem:s12], [sflag:$0x1] =	stream.indirect.gather [hbm4b:s1+s15], $0x80, s23, s15, $0xb8;
	[tilespmem:$0x1D000] =	vst v63  }
0x124: {  	_ =	swait.ge [sflag:s18], $0x4000  }
0x125: {  	[sflag:s18] =	ssyncset.done $0x0  }
0x126: {  	[sflag:s18] =	ssyncadd.s32 $0xFFFFC000  }
0x127: {  	[spmem:s3] =	stream.indirect.scatter.add.f32 [tilespmem:s16], [sflag:$0x3], $0x80, s24, s15, $0xb8;
	[tilespmem:$0x1D000] =	vst v63  }
0x128: {  	_ =	swait.ge [sflag:s13], $0x4000  }
0x129: {  	[sflag:s13] =	ssyncset.done $0x0  }
0x12a: {  	[sflag:s13] =	ssyncadd.s32 $0xFFFFC000  }
0x12b: {  	[tilespmem:s16], [sflag:$0x2] =	stream.indirect.gather [hbm4b:s1+s15], $0x80, s25, s15, $0xb8;
	[tilespmem:$0x1D000] =	vst v63  }
0x12c: {  	_ =	swait.ge [sflag:s17], $0x4000  }
0x12d: {  	[sflag:s17] =	ssyncset.done $0x0  }
0x12e: {  	[sflag:s17] =	ssyncadd.s32 $0xFFFFC000  }
0x12f: {  	[spmem:s3] =	stream.indirect.scatter.add.f32 [tilespmem:s12], [sflag:$0x3], $0x80, s26, s15, $0xb8;
	[tilespmem:$0x1D000] =	vst v63  }
0x130: {  	_ =	swait.ge [sflag:s13], $0x4000  }
0x131: {  	[sflag:s13] =	ssyncset.done $0x0  }
0x132: {  	[sflag:s13] =	ssyncadd.s32 $0xFFFFC000  }
0x133: {  	[tilespmem:s12], [sflag:$0x1] =	stream.indirect.gather [hbm4b:s1+s15], $0x80, s28, s15, $0xb8;
	[tilespmem:$0x1D000] =	vst v63  }
0x134: {  	_ =	swait.ge [sflag:s18], $0x4000  }
0x135: {  	[sflag:s18] =	ssyncset.done $0x0  }
0x136: {  	[sflag:s18] =	ssyncadd.s32 $0xFFFFC000  }
0x137: {  	[spmem:s3] =	stream.indirect.scatter.add.f32 [tilespmem:s16], [sflag:$0x3], $0x80, s29, s15, $0xb8;
	[tilespmem:$0x1D000] =	vst v63  }
0x138: {  	_ =	swait.ge [sflag:s13], $0x4000  }
0x139: {  	[sflag:s13] =	ssyncset.done $0x0  }
0x13a: {  	[sflag:s13] =	ssyncadd.s32 $0xFFFFC000  }
0x13b: {  	[tilespmem:s16], [sflag:$0x2] =	stream.indirect.gather [hbm4b:s1+s15], $0x80, s30, s15, $0xb8;
	[tilespmem:$0x1D000] =	vst v63  }
0x13c: {  	_ =	swait.ge [sflag:s17], $0x4000  }
0x13d: {  	[sflag:s17] =	ssyncset.done $0x0  }
0x13e: {  	[sflag:s17] =	ssyncadd.s32 $0xFFFFC000  }
0x13f: {  	[spmem:s3] =	stream.indirect.scatter.add.f32 [tilespmem:s12], [sflag:$0x3], $0x80, s31, s15, $0xb8;
	[tilespmem:$0x1D000] =	vst v63  }
0x140: {  	_ =	swait.ge [sflag:s13], $0x4000  }
0x141: {  	[sflag:s13] =	ssyncset.done $0x0  }
0x142: {  	[sflag:s13] =	ssyncadd.s32 $0xFFFFC000  }
0x143: {  	[tilespmem:s12], [sflag:$0x1] =	stream.indirect.gather [hbm4b:s1+s15], $0x80, s2, s15, $0xb8;
	[tilespmem:$0x1D000] =	vst v63  }
0x144: {  	_ =	swait.ge [sflag:s18], $0x4000  }
0x145: {  	[sflag:s18] =	ssyncset.done $0x0  }
0x146: {  	[sflag:s18] =	ssyncadd.s32 $0xFFFFC000  }
0x147: {  	[spmem:s3] =	stream.indirect.scatter.add.f32 [tilespmem:s16], [sflag:$0x3], $0x80, s0, s15, $0xb8;
	[tilespmem:$0x1D000] =	vst v63  }
0x148: {  	_ =	swait.ge [sflag:s13], $0x4000  }
0x149: {  	[sflag:s13] =	ssyncset.done $0x0  }
0x14a: {  	[sflag:s13] =	ssyncadd.s32 $0xFFFFC000  }
0x14b: {  	[tilespmem:s16], [sflag:$0x2] =	stream.indirect.gather [hbm4b:s1+s15], $0x80, s6, s15, $0xb8;
	[tilespmem:$0x1D000] =	vst v63  }
0x14c: {  	_ =	swait.ge [sflag:s17], $0x4000  }
0x14d: {  	[sflag:s17] =	ssyncset.done $0x0  }
0x14e: {  	[sflag:s17] =	ssyncadd.s32 $0xFFFFC000  }
0x14f: {  	[spmem:s3] =	stream.indirect.scatter.add.f32 [tilespmem:s12], [sflag:$0x3], $0x80, s7, s15, $0xb8;
	[tilespmem:$0x1D000] =	vst v63  }
0x150: {  	_ =	swait.ge [sflag:s13], $0x4000  }
0x151: {  	[sflag:s13] =	ssyncset.done $0x0  }
0x152: {  	[sflag:s13] =	ssyncadd.s32 $0xFFFFC000  }
0x153: {  	p0 =	sne.s32 s11, $0x400;
	_ =	swait.ge [sflag:s18], $0x4000  }
.Ltmp1:
0x154: {  	[sflag:s18] =	ssyncset.done $0x0;
	(pc) =	sbr.rel @p0 .LBB2_4-.Ltmp1, $4  }
0x155: {  	[sflag:s18] =	ssyncadd.s32 $0xFFFFC000  }
0x156: {  	[spmem:s3] =	stream.indirect.scatter.add.f32 [tilespmem:s16], [sflag:$0x3], $0x80, s8, s15, $0xb8;
	[tilespmem:$0x1D000] =	vst v63  }
0x157: {  	_ =	swait.ge [sflag:s13], $0x4000  }
0x158: {  	s11 =	sadd.s32 $0x100, s11;
	s5 =	rddreg [dreg:$0x5];
	[sflag:s13] =	ssyncset.done $0x0  }
0x159: {  	[sflag:s13] =	ssyncadd.s32 $0xFFFFC000;
	s5 =	sadd.s32 s10, s5  }
0x15a: {  	[tilespmem:s4], [sflag:$0x3] =	stream.linear.gather [hbm4b:s5+s4], $0x800, $0x38;
	[tilespmem:$0x1D000] =	vst v63  }
0x15b: {  	_ =	swait.ge [sflag:s13], $0x800  }
0x15c: {  	s9 =	rddreg [dreg:$0x4];
	[sflag:s13] =	ssyncset.done $0x0  }
0x15d: {  	[sflag:s13] =	ssyncadd.s32 $0xFFFFF800;
	s5 =	sadd.s32 s10, s9  }
0x15e: {  	[tilespmem:s14], [sflag:$0x3] =	stream.linear.gather [hbm4b:s5+s4], $0x800, $0x38;
	[tilespmem:$0x1D000] =	vst v63  }
0x15f: {  	_ =	swait.ge [sflag:s13], $0x800  }
0x160: {  	[sflag:s13] =	ssyncset.done $0x0  }
0x161: {  	[sflag:s13] =	ssyncadd.s32 $0xFFFFF800  }
0x162: {  	[tilespmem:s12], [sflag:$0x1] =	stream.indirect.gather [hbm4b:s1+s15], $0x80, s4, s15, $0xb8;
	[tilespmem:$0x1D000] =	vst v63  }
0x163: {  	_ = 	snop  }
0x164: {  	[tilespmem:s16], [sflag:$0x2] =	stream.indirect.gather [hbm4b:s1+s15], $0x80, s15, s15, $0xb8;
	[tilespmem:$0x1D000] =	vst v63  }
0x165: {  	_ =	swait.ge [sflag:s17], $0x4000  }
0x166: {  	[sflag:s17] =	ssyncset.done $0x0  }
0x167: {  	[sflag:s17] =	ssyncadd.s32 $0xFFFFC000  }
0x168: {  	[spmem:s3] =	stream.indirect.scatter.add.f32 [tilespmem:s12], [sflag:$0x3], $0x80, s14, s15, $0xb8;
	[tilespmem:$0x1D000] =	vst v63  }
0x169: {  	_ =	swait.ge [sflag:s13], $0x4000  }
0x16a: {  	[sflag:s13] =	ssyncset.done $0x0  }
0x16b: {  	s10 =	rddreg [dreg:$0x6];
	[sflag:s13] =	ssyncadd.s32 $0xFFFFC000  }
0x16c: {  	[tilespmem:s12], [sflag:$0x1] =	stream.indirect.gather [hbm4b:s1+s15], $0x80, s10, s15, $0xb8;
	[tilespmem:$0x1D000] =	vst v63  }
0x16d: {  	_ =	swait.ge [sflag:s18], $0x4000  }
0x16e: {  	[sflag:s18] =	ssyncset.done $0x0  }
0x16f: {  	s11 =	rddreg [dreg:$0x7];
	[sflag:s18] =	ssyncadd.s32 $0xFFFFC000  }
0x170: {  	[spmem:s3] =	stream.indirect.scatter.add.f32 [tilespmem:s16], [sflag:$0x3], $0x80, s11, s15, $0xb8;
	[tilespmem:$0x1D000] =	vst v63  }
0x171: {  	_ =	swait.ge [sflag:s13], $0x4000  }
0x172: {  	[sflag:s13] =	ssyncset.done $0x0  }
0x173: {  	s9 =	rddreg [dreg:$0x8];
	[sflag:s13] =	ssyncadd.s32 $0xFFFFC000  }
0x174: {  	[tilespmem:s16], [sflag:$0x2] =	stream.indirect.gather [hbm4b:s1+s15], $0x80, s9, s15, $0xb8;
	[tilespmem:$0x1D000] =	vst v63  }
0x175: {  	_ =	swait.ge [sflag:s17], $0x4000  }
0x176: {  	[sflag:s17] =	ssyncset.done $0x0  }
0x177: {  	s10 =	rddreg [dreg:$0x9];
	[sflag:s17] =	ssyncadd.s32 $0xFFFFC000  }
0x178: {  	[spmem:s3] =	stream.indirect.scatter.add.f32 [tilespmem:s12], [sflag:$0x3], $0x80, s10, s15, $0xb8;
	[tilespmem:$0x1D000] =	vst v63  }
0x179: {  	_ =	swait.ge [sflag:s13], $0x4000  }
0x17a: {  	[sflag:s13] =	ssyncset.done $0x0  }
0x17b: {  	s11 =	rddreg [dreg:$0xa];
	[sflag:s13] =	ssyncadd.s32 $0xFFFFC000  }
0x17c: {  	[tilespmem:s12], [sflag:$0x1] =	stream.indirect.gather [hbm4b:s1+s15], $0x80, s11, s15, $0xb8;
	[tilespmem:$0x1D000] =	vst v63  }
0x17d: {  	_ =	swait.ge [sflag:s18], $0x4000  }
0x17e: {  	[sflag:s18] =	ssyncset.done $0x0  }
0x17f: {  	s9 =	rddreg [dreg:$0xb];
	[sflag:s18] =	ssyncadd.s32 $0xFFFFC000  }
0x180: {  	[spmem:s3] =	stream.indirect.scatter.add.f32 [tilespmem:s16], [sflag:$0x3], $0x80, s9, s15, $0xb8;
	[tilespmem:$0x1D000] =	vst v63  }
0x181: {  	_ =	swait.ge [sflag:s13], $0x4000  }
0x182: {  	[sflag:s13] =	ssyncset.done $0x0  }
0x183: {  	s10 =	rddreg [dreg:$0xc];
	[sflag:s13] =	ssyncadd.s32 $0xFFFFC000  }
0x184: {  	[tilespmem:s16], [sflag:$0x2] =	stream.indirect.gather [hbm4b:s1+s15], $0x80, s10, s15, $0xb8;
	[tilespmem:$0x1D000] =	vst v63  }
0x185: {  	_ =	swait.ge [sflag:s17], $0x4000  }
0x186: {  	[sflag:s17] =	ssyncset.done $0x0  }
0x187: {  	s11 =	rddreg [dreg:$0xd];
	[sflag:s17] =	ssyncadd.s32 $0xFFFFC000  }
0x188: {  	[spmem:s3] =	stream.indirect.scatter.add.f32 [tilespmem:s12], [sflag:$0x3], $0x80, s11, s15, $0xb8;
	[tilespmem:$0x1D000] =	vst v63  }
0x189: {  	_ =	swait.ge [sflag:s13], $0x4000  }
0x18a: {  	[sflag:s13] =	ssyncset.done $0x0  }
0x18b: {  	s9 =	rddreg [dreg:$0xe];
	[sflag:s13] =	ssyncadd.s32 $0xFFFFC000  }
0x18c: {  	[tilespmem:s12], [sflag:$0x1] =	stream.indirect.gather [hbm4b:s1+s15], $0x80, s9, s15, $0xb8;
	[tilespmem:$0x1D000] =	vst v63  }
0x18d: {  	_ =	swait.ge [sflag:s18], $0x4000  }
0x18e: {  	[sflag:s18] =	ssyncset.done $0x0  }
0x18f: {  	s10 =	rddreg [dreg:$0xf];
	[sflag:s18] =	ssyncadd.s32 $0xFFFFC000  }
0x190: {  	[spmem:s3] =	stream.indirect.scatter.add.f32 [tilespmem:s16], [sflag:$0x3], $0x80, s10, s15, $0xb8;
	[tilespmem:$0x1D000] =	vst v63  }
0x191: {  	_ =	swait.ge [sflag:s13], $0x4000  }
0x192: {  	[sflag:s13] =	ssyncset.done $0x0  }
0x193: {  	s11 =	rddreg [dreg:$0x10];
	[sflag:s13] =	ssyncadd.s32 $0xFFFFC000  }
0x194: {  	[tilespmem:s16], [sflag:$0x2] =	stream.indirect.gather [hbm4b:s1+s15], $0x80, s11, s15, $0xb8;
	[tilespmem:$0x1D000] =	vst v63  }
0x195: {  	_ =	swait.ge [sflag:s17], $0x4000  }
0x196: {  	[sflag:s17] =	ssyncset.done $0x0  }
0x197: {  	s9 =	rddreg [dreg:$0x11];
	[sflag:s17] =	ssyncadd.s32 $0xFFFFC000  }
0x198: {  	[spmem:s3] =	stream.indirect.scatter.add.f32 [tilespmem:s12], [sflag:$0x3], $0x80, s9, s15, $0xb8;
	[tilespmem:$0x1D000] =	vst v63  }
0x199: {  	_ =	swait.ge [sflag:s13], $0x4000  }
0x19a: {  	[sflag:s13] =	ssyncset.done $0x0  }
0x19b: {  	[sflag:s13] =	ssyncadd.s32 $0xFFFFC000  }
0x19c: {  	[tilespmem:s12], [sflag:$0x1] =	stream.indirect.gather [hbm4b:s1+s15], $0x80, s19, s15, $0xb8;
	[tilespmem:$0x1D000] =	vst v63  }
0x19d: {  	_ =	swait.ge [sflag:s18], $0x4000  }
0x19e: {  	[sflag:s18] =	ssyncset.done $0x0  }
0x19f: {  	[sflag:s18] =	ssyncadd.s32 $0xFFFFC000  }
0x1a0: {  	[spmem:s3] =	stream.indirect.scatter.add.f32 [tilespmem:s16], [sflag:$0x3], $0x80, s20, s15, $0xb8;
	[tilespmem:$0x1D000] =	vst v63  }
0x1a1: {  	_ =	swait.ge [sflag:s13], $0x4000  }
0x1a2: {  	[sflag:s13] =	ssyncset.done $0x0  }
0x1a3: {  	[sflag:s13] =	ssyncadd.s32 $0xFFFFC000  }
0x1a4: {  	[tilespmem:s16], [sflag:$0x2] =	stream.indirect.gather [hbm4b:s1+s15], $0x80, s21, s15, $0xb8;
	[tilespmem:$0x1D000] =	vst v63  }
0x1a5: {  	_ =	swait.ge [sflag:s17], $0x4000  }
0x1a6: {  	[sflag:s17] =	ssyncset.done $0x0  }
0x1a7: {  	[sflag:s17] =	ssyncadd.s32 $0xFFFFC000  }
0x1a8: {  	[spmem:s3] =	stream.indirect.scatter.add.f32 [tilespmem:s12], [sflag:$0x3], $0x80, s22, s15, $0xb8;
	[tilespmem:$0x1D000] =	vst v63  }
0x1a9: {  	_ =	swait.ge [sflag:s13], $0x4000  }
0x1aa: {  	[sflag:s13] =	ssyncset.done $0x0  }
0x1ab: {  	[sflag:s13] =	ssyncadd.s32 $0xFFFFC000  }
0x1ac: {  	[tilespmem:s12], [sflag:$0x1] =	stream.indirect.gather [hbm4b:s1+s15], $0x80, s23, s15, $0xb8;
	[tilespmem:$0x1D000] =	vst v63  }
0x1ad: {  	_ =	swait.ge [sflag:s18], $0x4000  }
0x1ae: {  	[sflag:s18] =	ssyncset.done $0x0  }
0x1af: {  	[sflag:s18] =	ssyncadd.s32 $0xFFFFC000  }
0x1b0: {  	[spmem:s3] =	stream.indirect.scatter.add.f32 [tilespmem:s16], [sflag:$0x3], $0x80, s24, s15, $0xb8;
	[tilespmem:$0x1D000] =	vst v63  }
0x1b1: {  	_ =	swait.ge [sflag:s13], $0x4000  }
0x1b2: {  	[sflag:s13] =	ssyncset.done $0x0  }
0x1b3: {  	[sflag:s13] =	ssyncadd.s32 $0xFFFFC000  }
0x1b4: {  	[tilespmem:s16], [sflag:$0x2] =	stream.indirect.gather [hbm4b:s1+s15], $0x80, s25, s15, $0xb8;
	[tilespmem:$0x1D000] =	vst v63  }
0x1b5: {  	_ =	swait.ge [sflag:s17], $0x4000  }
0x1b6: {  	[sflag:s17] =	ssyncset.done $0x0  }
0x1b7: {  	[sflag:s17] =	ssyncadd.s32 $0xFFFFC000  }
0x1b8: {  	[spmem:s3] =	stream.indirect.scatter.add.f32 [tilespmem:s12], [sflag:$0x3], $0x80, s26, s15, $0xb8;
	[tilespmem:$0x1D000] =	vst v63  }
0x1b9: {  	_ =	swait.ge [sflag:s13], $0x4000  }
0x1ba: {  	[sflag:s13] =	ssyncset.done $0x0  }
0x1bb: {  	[sflag:s13] =	ssyncadd.s32 $0xFFFFC000  }
0x1bc: {  	[tilespmem:s12], [sflag:$0x1] =	stream.indirect.gather [hbm4b:s1+s15], $0x80, s28, s15, $0xb8;
	[tilespmem:$0x1D000] =	vst v63  }
0x1bd: {  	_ =	swait.ge [sflag:s18], $0x4000  }
0x1be: {  	[sflag:s18] =	ssyncset.done $0x0  }
0x1bf: {  	[sflag:s18] =	ssyncadd.s32 $0xFFFFC000  }
0x1c0: {  	[spmem:s3] =	stream.indirect.scatter.add.f32 [tilespmem:s16], [sflag:$0x3], $0x80, s29, s15, $0xb8;
	[tilespmem:$0x1D000] =	vst v63  }
0x1c1: {  	_ =	swait.ge [sflag:s13], $0x4000  }
0x1c2: {  	[sflag:s13] =	ssyncset.done $0x0  }
0x1c3: {  	[sflag:s13] =	ssyncadd.s32 $0xFFFFC000  }
0x1c4: {  	[tilespmem:s16], [sflag:$0x2] =	stream.indirect.gather [hbm4b:s1+s15], $0x80, s30, s15, $0xb8;
	[tilespmem:$0x1D000] =	vst v63  }
0x1c5: {  	_ =	swait.ge [sflag:s17], $0x4000  }
0x1c6: {  	[sflag:s17] =	ssyncset.done $0x0  }
0x1c7: {  	[sflag:s17] =	ssyncadd.s32 $0xFFFFC000  }
0x1c8: {  	[spmem:s3] =	stream.indirect.scatter.add.f32 [tilespmem:s12], [sflag:$0x3], $0x80, s31, s15, $0xb8;
	[tilespmem:$0x1D000] =	vst v63  }
0x1c9: {  	_ =	swait.ge [sflag:s13], $0x4000  }
0x1ca: {  	[sflag:s13] =	ssyncset.done $0x0  }
0x1cb: {  	[sflag:s13] =	ssyncadd.s32 $0xFFFFC000  }
0x1cc: {  	[tilespmem:s12], [sflag:$0x1] =	stream.indirect.gather [hbm4b:s1+s15], $0x80, s2, s15, $0xb8;
	[tilespmem:$0x1D000] =	vst v63  }
0x1cd: {  	_ =	swait.ge [sflag:s18], $0x4000  }
0x1ce: {  	[sflag:s18] =	ssyncset.done $0x0  }
0x1cf: {  	[sflag:s18] =	ssyncadd.s32 $0xFFFFC000  }
0x1d0: {  	[spmem:s3] =	stream.indirect.scatter.add.f32 [tilespmem:s16], [sflag:$0x3], $0x80, s0, s15, $0xb8;
	[tilespmem:$0x1D000] =	vst v63  }
0x1d1: {  	_ =	swait.ge [sflag:s13], $0x4000  }
0x1d2: {  	[sflag:s13] =	ssyncset.done $0x0  }
0x1d3: {  	[sflag:s13] =	ssyncadd.s32 $0xFFFFC000  }
0x1d4: {  	[tilespmem:s16], [sflag:$0x2] =	stream.indirect.gather [hbm4b:s1+s15], $0x80, s6, s15, $0xb8;
	[tilespmem:$0x1D000] =	vst v63  }
0x1d5: {  	_ =	swait.ge [sflag:s17], $0x4000  }
0x1d6: {  	[sflag:s17] =	ssyncset.done $0x0  }
0x1d7: {  	[sflag:s17] =	ssyncadd.s32 $0xFFFFC000  }
0x1d8: {  	[spmem:s3] =	stream.indirect.scatter.add.f32 [tilespmem:s12], [sflag:$0x3], $0x80, s7, s15, $0xb8;
	[tilespmem:$0x1D000] =	vst v63  }
0x1d9: {  	_ =	swait.ge [sflag:s13], $0x4000  }
0x1da: {  	[sflag:s13] =	ssyncset.done $0x0  }
0x1db: {  	[sflag:s13] =	ssyncadd.s32 $0xFFFFC000  }
0x1dc: {  	_ =	swait.ge [sflag:s18], $0x4000  }
0x1dd: {  	[sflag:s18] =	ssyncset.done $0x0  }
0x1de: {  	[sflag:s18] =	ssyncadd.s32 $0xFFFFC000  }
0x1df: {  	[spmem:s3] =	stream.indirect.scatter.add.f32 [tilespmem:s16], [sflag:$0x3], $0x80, s8, s15, $0xb8;
	[tilespmem:$0x1D000] =	vst v63  }
0x1e0: {  	_ =	swait.ge [sflag:s13], $0x4000  }
0x1e1: {  	[sflag:s13] =	ssyncset.done $0x0  }
0x1e2: {  	[sflag:s13] =	ssyncadd.s32 $0xFFFFC000  }
0x1e3: {  	s10 =	stileid.u32;
	[bflag:$0x0] =	sbarrier.arrive $0xFFFF  }
0x1e4: {  	s5 =	sshll.u32 s10, $0x6;
	s9 =	rddreg [dreg:$0x12]  }
0x1e5: {  	s5 =	sor.u32 $0x1C03, s5;
	s11 =	rddreg [dreg:$0x17];
	s9 =	sshrl.u32 s9, $0x3  }
0x1e6: {  	[hbm:s11], [sflag:s5] =	dma.local [spmem:s9], $0x2800  }
0x1e7: {  	_ =	swait.ge [sflag:s13], $0x2800  }
0x1e8: {  	s10 =	rddreg [dreg:$0x19]  }
0x1e9: {  	s11 =	rddreg [dreg:$0x18];
	s9 =	sadd.s32 $0x1, s10  }
0x1ea: {  	p0 =	sne.s32 s9, s11  }
.Ltmp2:
0x1eb: {  	_ = 	snop;
	(pc) =	sbr.rel @p0 .LBB2_1-.Ltmp2, $3  }
0x1ec: {  	_ =	sdelay $0x1  }
0x1ed: {  	[sflag:s13] =	ssyncset.done $0x0  }
0x1ee: {  	[sflag:s13] =	ssyncadd.s32 $0xFFFFD800  }
0x1ef: {  	_ =	sfence.sel $0x180000  }
0x1f0: {  	[bflag:$0x0] =	sbarrier.arrive $0xFFFF  }
0x1f1: {  	_ =	strace $0x90000047  }
0x1f2: {  	s0 =	stileid.u32;
	[bflag:$0x2] =	sbarrier.arrive $0xFFFF  }
0x1f3: {  	p0 =	sne.s32 s0, $0x0;
	s0 =	rddreg [dreg:$0x3]  }
0x1f4: {  	s0 =	sadd.s32 @!p0 $0x100000, s0  }
0x1f5: {  	[sflag:s0] =	ssyncadd.tile.s32 @!p0 $0x1;
	_ =	shalt  }
.Lfunc_end2:
_tile_overlayer_lowered:
.L_overlay_start_2:
0x1f6: {  	(tag) =	ssettag $0x2  }
0x1f7: {  	s0 =	rddreg [dreg:$0x0];
	s2 =	stileid.u32  }
0x1f8: {  	s1 =	rddreg [dreg:$0x1];
	p0 =	sne.s32 s2, $0x0  }
0x1f9: {  	s3 =	rddreg [dreg:$0x2];
	[bflag:$0x3] =	sbarrier.arrive $0xFFFF;
	s2 =	simm.s32 @!p0 $0x1C03  }
0x1fa: {  	[timem:s3], [sflag:s2] =	dma.local @!p0 [hbm:s0], s1  }
0x1fb: {  	s0 =	simm.s32 @!p0 $0x3  }
0x1fc: {  	_ =	swait.ge @!p0 [sflag:s0], s1  }
0x1fd: {  	s1 =	ssub.s32 @!p0 $0x0, s1;
	[sflag:s0] =	ssyncset.done @!p0 $0x0  }
0x1fe: {  	[sflag:s0] =	ssyncadd.s32 @!p0 s1  }
0x1ff: {  	[bflag:$0x3] =	sbarrier.arrive $0xFFFF  }
0x200: {  	_ =	shalt  }

// kernel: kernel.9.cloned.1.call-start
scs
__scs_entry_jumppad:
0x0: {  	(pc) =	sbr.rel $0x88, $3  }
0x1: {  	(tag) =	ssettag $0x0;
	lr =	simm.s32 $0x1  }
0x2: {  	[smem:$0x3F97] =	sst lr;
	_ =	strace $0xD0000000  }
0x3: {  	_ = 	snop  }
0x4: {  	_ = 	snop  }
0x5: {  	_ = 	snop  }
0x6: {  	_ = 	snop  }
0x7: {  	_ = 	snop  }
__scs_overlays_trampoline_lowered:
0x8: {  	[smem:$0x3FA6] =	sst s0  }
0x9: {  	[smem:$0x3FA7] =	sst s1  }
0xa: {  	[smem:$0x3FA8] =	sst s2  }
0xb: {  	[smem:$0x3FA9] =	sst s3  }
0xc: {  	[smem:$0x3FAA] =	sst s4  }
0xd: {  	[smem:$0x3FAB] =	sst s5  }
0xe: {  	[smem:$0x3FAC] =	sst s6  }
0xf: {  	[smem:$0x3FAD] =	sst s7  }
0x10: {  	[smem:$0x3FAE] =	sst s8  }
0x11: {  	[smem:$0x3FAF] =	sst s9;
	s0 =	simm.s32 @!p0 $0x0  }
0x12: {  	s1 =	sld [smem:$0x3F95];
	s0 =	simm.s32 @p0 $0x1  }
0x13: {  	[smem:$0x3FB0] =	sst s0;
	s0 =	simm.s32 @!p1 $0x0  }
0x14: {  	s2 =	sld [smem:$0x3F94];
	s0 =	simm.s32 @p1 $0x1  }
0x15: {  	[smem:$0x3FB1] =	sst s0;
	s0 =	simm.s32 @!p2 $0x0  }
0x16: {  	s3 =	sld [smem:$0x3FDB];
	s0 =	simm.s32 @p2 $0x1  }
0x17: {  	s4 =	simm.s32 $0x1BF5;
	[smem:$0x3FB3] =	sst s0  }
0x18: {  	s0 =	sld [smem:$0x3F96];
	_ =	swait.ge [sflag:s4], $0x0  }
0x19: {  	s7 =	sld [smem:$0x3F97]  }
0x1a: {  	s8 =	sadd.s32 $0xFFFFE003, lr  }
0x1b: {  	s9 =	sadd.s32 $0xFFFFFEF7, lr;
	s5 =	simm.s32 $0xFFFFFFFF;
	p2 =	slt.u32 s8, $0xFFFFF086  }
0x1c: {  	p1 =	slt.u32 s9, $0xF7A;
	s5 =	simm.s32 @!p2 $0x0  }
0x1d: {  	s5 =	simm.s32 @p1 $0x1;
	p0 =	seq.s32 s7, s2  }
0x1e: {  	s7 =	smul.u32 @!p0 $0xF7A, s2;
	p2 =	seq.s32 @!p0 s5, $0x0  }
0x1f: {  	s9 =	smul.u32 $0xF7A, s1;
	s8 =	simm.s32 @!p0 $0x1BF5;
	p2 =	por !p2, p0  }
0x20: {  	[sflag:s8] =	ssyncset.s32 @!p0 $0xFFFFF086;
	s6 =	sadd.s32 @!p0 s3, s7;
	s7 =	simm.s32 @!p0 $0x108  }
0x21: {  	s3 =	sadd.s32 s3, s9;
	s6 =	sadd.s32 @!p0 $0x88, s6;
	s7 =	simm.s32 @p2 $0x1082  }
0x22: {  	[simem:s7], [sflag:s8] =	dma.local @!p0 [hbm:s6], $0xF7A  }
0x23: {  	s9 =	sor.u32 $0xD0000000, s2;
	s6 =	simm.s32 $0x108;
	_ =	swait.ge @!p0 [sflag:s8], $0x0  }
0x24: {  	s3 =	sadd.s32 $0x88, s3;
	s6 =	simm.s32 @!p1 $0x1082;
	[sflag:s4] =	ssyncset.s32 $0xFFFFF086  }
0x25: {  	[simem:s6], [sflag:s4] =	dma.local [hbm:s3], $0xF7A  }
0x26: {  	[smem:$0x3F97] =	sst s1;
	(tag) =	ssettag s2;
	_ =	strace s9  }
0x27: {  	s1 =	sld [smem:$0x3FA7]  }
0x28: {  	s2 =	sld [smem:$0x3FA8]  }
0x29: {  	s4 =	sld [smem:$0x3FAA]  }
0x2a: {  	p0 =	seq.s32 s5, $0x0;
	s5 =	sld [smem:$0x3FAB]  }
0x2b: {  	s6 =	sld [smem:$0x3FAC]  }
0x2c: {  	s7 =	sld [smem:$0x3FAD]  }
0x2d: {  	s3 =	simm.s32 $0x108;
	s8 =	sld [smem:$0x3FAE]  }
0x2e: {  	s3 =	simm.s32 @!p0 $0x1082;
	s9 =	sld [smem:$0x3FAF]  }
0x2f: {  	lr =	sadd.s32 s0, s3;
	s0 =	sld [smem:$0x3FA6]  }
0x30: {  	s3 =	sld [smem:$0x3FA9]  }
0x31: {  	[smem:$0x3FB2] =	sst s10  }
0x32: {  	s10 =	sld [smem:$0x3FB0];
	_ =	sdelay $0x3  }
0x33: {  	p0 =	seq.s32 s10, $0x1;
	s10 =	sld [smem:$0x3FB2];
	_ =	sdelay $0x3  }
0x34: {  	[smem:$0x3FB2] =	sst s10  }
0x35: {  	s10 =	sld [smem:$0x3FB1];
	_ =	sdelay $0x3  }
0x36: {  	p1 =	seq.s32 s10, $0x1;
	s10 =	sld [smem:$0x3FB2];
	_ =	sdelay $0x3  }
0x37: {  	[smem:$0x3FB2] =	sst s10  }
0x38: {  	s10 =	sld [smem:$0x3FB3]  }
0x39: {  	_ = 	snop;
	(pc) =	sbr.ind lr, $3  }
0x3a: {  	_ = 	snop  }
0x3b: {  	_ = 	snop  }
0x3c: {  	p2 =	seq.s32 s10, $0x1;
	s10 =	sld [smem:$0x3FB2]  }
0x3d: {  	_ =	shalt  }
0x3e: {  	_ =	shalt  }
0x3f: {  	_ =	shalt  }
0x40: {  	_ =	shalt  }
0x41: {  	_ =	shalt  }
0x42: {  	_ =	shalt  }
0x43: {  	_ =	shalt  }
0x44: {  	_ =	shalt  }
0x45: {  	_ =	shalt  }
0x46: {  	_ =	shalt  }
0x47: {  	_ =	shalt  }
0x48: {  	_ =	shalt  }
0x49: {  	_ =	shalt  }
0x4a: {  	_ =	shalt  }
0x4b: {  	_ =	shalt  }
0x4c: {  	_ =	shalt  }
0x4d: {  	_ =	shalt  }
0x4e: {  	_ =	shalt  }
0x4f: {  	_ =	shalt  }
0x50: {  	_ =	shalt  }
0x51: {  	_ =	shalt  }
0x52: {  	_ =	shalt  }
0x53: {  	_ =	shalt  }
0x54: {  	_ =	shalt  }
0x55: {  	_ =	shalt  }
0x56: {  	_ =	shalt  }
0x57: {  	_ =	shalt  }
0x58: {  	_ =	shalt  }
0x59: {  	_ =	shalt  }
0x5a: {  	_ =	shalt  }
0x5b: {  	_ =	shalt  }
0x5c: {  	_ =	shalt  }
0x5d: {  	_ =	shalt  }
0x5e: {  	_ =	shalt  }
0x5f: {  	_ =	shalt  }
0x60: {  	_ =	shalt  }
0x61: {  	_ =	shalt  }
0x62: {  	_ =	shalt  }
0x63: {  	_ =	shalt  }
0x64: {  	_ =	shalt  }
0x65: {  	_ =	shalt  }
0x66: {  	_ =	shalt  }
0x67: {  	_ =	shalt  }
0x68: {  	_ =	shalt  }
0x69: {  	_ =	shalt  }
0x6a: {  	_ =	shalt  }
0x6b: {  	_ =	shalt  }
0x6c: {  	_ =	shalt  }
0x6d: {  	_ =	shalt  }
0x6e: {  	_ =	shalt  }
0x6f: {  	_ =	shalt  }
0x70: {  	_ =	shalt  }
0x71: {  	_ =	shalt  }
0x72: {  	_ =	shalt  }
0x73: {  	_ =	shalt  }
0x74: {  	_ =	shalt  }
0x75: {  	_ =	shalt  }
0x76: {  	_ =	shalt  }
0x77: {  	_ =	shalt  }
0x78: {  	_ =	shalt  }
0x79: {  	_ =	shalt  }
0x7a: {  	_ =	shalt  }
0x7b: {  	_ =	shalt  }
0x7c: {  	_ =	shalt  }
0x7d: {  	_ =	shalt  }
0x7e: {  	_ =	shalt  }
0x7f: {  	_ =	shalt  }
0x80: {  	_ =	shalt  }
0x81: {  	_ =	shalt  }
0x82: {  	_ =	shalt  }
0x83: {  	_ =	shalt  }
0x84: {  	_ =	shalt  }
0x85: {  	_ =	shalt  }
0x86: {  	_ =	shalt  }
0x87: {  	_ =	shalt  }
.Lfunc_end0:
.L_simem_size_0:
called_computation.1_lowered:
.L_overlay_start_0:
0x88: {  	s2 =	sld [smem:$0x3FD9]  }
0x89: {  	s3 =	sld [smem:$0x3FFE];
	_ =	sdelay $0x1  }
0x8a: {  	s1 =	srdreg.scid  }
0x8b: {  	s0 =	sand.u32 $0x1, s1  }
0x8c: {  	s17 =	sshll.u32 s0, $0xA;
	s2 =	sadd.s32 s3, s2  }
0x8d: {  	s2 =	sadd.s32 s2, s17  }
0x8e: {  	[smem:$0x3FBE] =	sst s2  }
0x8f: {  	_ = 	snop  }
0x90: {  	s2 =	sld [smem:$0x3FD0];
	(tm) =	ssettm $0x1  }
0x91: {  	s18 =	sld [smem:$0x3FFB];
	_ =	sdelay $0x3  }
0x92: {  	_ =	strace s18  }
0x93: {  	s3 =	sld [smem:$0x3FFC];
	_ =	sdelay $0x3  }
0x94: {  	_ =	strace s3  }
0x95: {  	s3 =	sld [smem:$0x3FFD];
	_ =	sdelay $0x3  }
0x96: {  	_ =	strace s3  }
0x97: {  	_ =	strace $0x8FFFFFFF  }
0x98: {  	s19 =	sld [smem:$0x3FDB];
	_ =	sdelay $0x1  }
0x99: {  	s4 =	simm.s32 $_scs_section_size  }
0x9a: {  	s5 =	simm.s32 $_size__tile_overlayer_lowered;
	s6 =	simm.s32 $_tile_overlayer_lowered  }
0x9b: {  	s22 =	simm.s32 $0x1BFF;
	s21 =	sshll.u32 s6, $0x1;
	s3 =	sadd.s32 s4, s19  }
0x9c: {  	s7 =	simm.s32 $0x0;
	s20 =	sshll.u32 s5, $0x1;
	s5 =	sadd.s32 s21, s3  }
0x9d: {  	[timem:s7], [sflag:s22] =	dma.local [hbm:s5], s20  }
0x9e: {  	_ =	swait.ge [sflag:s22], s20  }
0x9f: {  	s4 =	ssub.s32 $0x0, s20;
	[sflag:s22] =	ssyncset.done $0x0  }
0xa0: {  	[sflag:s22] =	ssyncadd.s32 s4;
	_ =	sdelay $0x1  }
0xa1: {  	s23 =	simm.s32 $0x1B8B  }
0xa2: {  	_ =	swait.ge [sflag:s23], $0x1  }
0xa3: {  	[sflag:s23] =	ssyncset.done $0x0  }
0xa4: {  	s25 =	simm.s32 $0x1B8E;
	s24 =	sld [smem:$0x3FFE];
	[sflag:s23] =	ssyncadd.s32 $0xFFFFFFFF  }
0xa5: {  	s26 =	simm.s32 $execute0_lowered;
	[smem:$0x3FD2] =	sst s25  }
0xa6: {  	s5 =	sshll.u32 s26, $0x1;
	_ =	strace $0x80000049;
	[dreg:$0x1] =	wrdreg $0xFFFFFFFF  }
0xa7: {  	s28 =	simm.s32 $_size_execute0_lowered;
	s3 =	sadd.s32 s3, s5;
	[dreg:$0x0] =	wrdreg $0x0  }
0xa8: {  	s5 =	sshll.u32 s28, $0x1;
	[dreg:$0x2] =	wrdreg s3  }
0xa9: {  	[dreg:$0x3] =	wrdreg s5  }
0xaa: {  	[dreg:$0x4] =	wrdreg $0xC0  }
0xab: {  	_ =	task [dreg:s7], $0x5FFFF  }
0xac: {  	[dreg:$0x1] =	wrdreg $0xFFFFFFFF  }
0xad: {  	[dreg:$0x0] =	wrdreg $0x60  }
0xae: {  	[dreg:$0x2] =	wrdreg s2  }
0xaf: {  	[dreg:$0x3] =	wrdreg s24  }
0xb0: {  	[dreg:$0x4] =	wrdreg $0x90000  }
0xb1: {  	[dreg:$0x5] =	wrdreg $0x9  }
0xb2: {  	_ =	task.clear_ibuf [dreg:s7], $0x6FFFF;
	_ =	strace $0x90000049  }
0xb3: {  	s29 =	simm.s32 $0x9;
	_ =	strace $0x8000004B  }
0xb4: {  	_ =	swait.ge [sflag:s29], $0x1  }
0xb5: {  	[sflag:s29] =	ssyncadd.s32 $0xFFFFFFFF  }
0xb6: {  	_ =	strace $0x9000004B  }
0xb7: {  	_ =	sfence  }
0xb8: {  	s30 =	sld [smem:$0x0];
	_ =	sdelay $0x2  }
0xb9: {  	s31 =	sshll.u32 s1, $0xD;
	s1 =	sshrl.u32 s1, $0x2  }
0xba: {  	s3 =	sand.u32 $0x4000, s31;
	s1 =	sadd.s32 s1, s30  }
0xbb: {  	s0 =	sor.u32 s3, s0;
	s1 =	sshll.u32 s1, $0x11  }
0xbc: {  	s0 =	sor.u32 s1, s0  }
0xbd: {  	s0 =	sadd.s32 $0x8F2B, s0  }
0xbe: {  	[sflag:s0] =	ssyncadd.remote.s32 $0x1  }
0xbf: {  	_ =	sfence.sel $0xFFFF  }
0xc0: {  	[dreg:$0x0] =	wrdreg $0xFFFFFFFF;
	(pc) =	sbr.abs _section_cstart, $3  }
0xc1: {  	[dreg:$0x1] =	wrdreg $0xFFFFFFFF  }
0xc2: {  	_ =	task.clear_ibuf [dreg:s7], $0x2FFFF;
	_ =	strace $0x9FFFFFFF  }
0xc3: {  	(tm) =	ssettm $0x7FFFFFFF  }
tec
execute0_lowered:
.L_overlay_start_1:
0x0: {  	(tag) =	ssettag $0x1  }
0x1: {  	s1 =	rddreg [dreg:$0x0];
	s0 =	srdreg.scid  }
0x2: {  	s2 =	rddreg [dreg:$0x1];
	s8 =	stileid.u32  }
0x3: {  	s3 =	rddreg [dreg:$0x2];
	s4 =	simm.s32 $0x0;
	s13 =	simm.s32 $0x100  }
0x4: {  	s14 =	simm.s32 $0x880;
	s16 =	simm.s32 $0x180;
	s18 =	simm.s32 $0x900  }
0x5: {  	s19 =	simm.s32 $0x200;
	s20 =	simm.s32 $0x980;
	[smem:$0x7FF] =	sst s4  }
0x6: {  	s21 =	simm.s32 $0x280;
	_ =	strace $0x8000004A;
	[dreg:$0x6] =	wrdreg s13  }
0x7: {  	s22 =	simm.s32 $0xA00;
	s23 =	simm.s32 $0x300;
	[dreg:$0x7] =	wrdreg s14  }
0x8: {  	s24 =	simm.s32 $0xA80;
	s25 =	simm.s32 $0x380;
	[dreg:$0x8] =	wrdreg s16  }
0x9: {  	s28 =	simm.s32 $0x600;
	s6 =	smul.u32 $0x2800, s8;
	[dreg:$0x9] =	wrdreg s18  }
0xa: {  	s29 =	simm.s32 $0xD80;
	s26 =	smul.u32 $0x14000, s8;
	[dreg:$0xa] =	wrdreg s19  }
0xb: {  	s0 =	sand.u32 $0x1, s0;
	s8 =	smul.u32 $0x50000, s8;
	[dreg:$0xb] =	wrdreg s20  }
0xc: {  	s30 =	simm.s32 $0x680;
	s5 =	smul.u32 $0x28000, s0;
	[dreg:$0xc] =	wrdreg s21  }
0xd: {  	s31 =	simm.s32 $0xE00;
	s7 =	smul.u32 $0x140000, s0;
	[dreg:$0xd] =	wrdreg s22  }
0xe: {  	s0 =	ssub.s32 $0x2, s0;
	s13 =	simm.s32 $0x3;
	[dreg:$0xe] =	wrdreg s23  }
0xf: {  	s14 =	simm.s32 $0x800;
	[dreg:$0xf] =	wrdreg s24;
	s16 =	simm.s32 $0x5000  }
0x10: {  	[dreg:$0x10] =	wrdreg s25;
	s18 =	simm.s32 $0x2;
	s19 =	simm.s32 $0x400  }
0x11: {  	s20 =	simm.s32 $0xB80;
	s21 =	simm.s32 $0x480;
	s22 =	simm.s32 $0xC00  }
0x12: {  	s23 =	simm.s32 $0x500;
	s24 =	simm.s32 $0xC80;
	s25 =	simm.s32 $0x580  }
0x13: {  	s9 =	sshrl.u32 s0, $0x1;
	s11 =	sshrl.u32 s8, $0x2;
	s8 =	simm.s32 $0xF80  }
0x14: {  	s5 =	sadd.s32 s6, s5;
	s6 =	sadd.s32 s26, s7;
	s0 =	ssub.s32 s0, s9  }
0x15: {  	s12 =	sadd.s32 s11, s3;
	s26 =	simm.s32 $0xB00;
	s9 =	simm.s32 $0x0  }
0x16: {  	s5 =	sshrl.u32 s5, $0x3;
	s6 =	sshrl.u32 s6, $0x3;
	[dreg:$0x12] =	wrdreg s12  }
0x17: {  	s7 =	sadd.s32 $0x4000, s12;
	s15 =	sadd.s32 $0x8000, s12;
	[dreg:$0x11] =	wrdreg s26  }
0x18: {  	s17 =	sadd.s32 $0xC000, s12;
	s0 =	smax.u32 s0, $0x1;
	[dreg:$0x13] =	wrdreg s7  }
0x19: {  	s26 =	simm.s32 $0xD00;
	s5 =	sadd.s32 s5, s2;
	[dreg:$0x14] =	wrdreg s15  }
0x1a: {  	s2 =	sadd.s32 s6, s2;
	[dreg:$0x15] =	wrdreg s17;
	s6 =	sadd.s32 $0x10000, s12  }
0x1b: {  	[dreg:$0x18] =	wrdreg s0;
	s12 =	simm.s32 $0x1000;
	s15 =	simm.s32 $0x80  }
0x1c: {  	s17 =	simm.s32 $0x1;
	s10 =	sadd.s32 $0x2000, s5;
	[dreg:$0x16] =	wrdreg s6  }
0x1d: {  	s0 =	simm.s32 $0xE80;
	s5 =	sadd.s32 $0xC000, s5;
	[dreg:$0x4] =	wrdreg s10  }
0x1e: {  	s7 =	simm.s32 $0xF00;
	s2 =	sadd.s32 $0x16000, s2;
	[dreg:$0x5] =	wrdreg s5  }
0x1f: {  	v0 =	vimm.f32 $0.0e+00;
	s6 =	simm.s32 $0x780;
	[dreg:$0x17] =	wrdreg s2;
	s2 =	simm.s32 $0x700  }
.LBB2_1:
0x20: {  	s10 =	simm.s32 $0x0;
	s11 =	simm.s32 $0x200  }
.LBB2_2:
0x21: {  	p0 =	sne.s32 s11, $0xFE00;
	[tilespmem:s10+$0x1070] =	vst v0  }
0x22: {  	[tilespmem:s10+$0x1000] =	vst v0  }
0x23: {  	[tilespmem:s10+$0x1010] =	vst v0  }
.Ltmp0:
0x24: {  	[tilespmem:s10+$0x1020] =	vst v0;
	(pc) =	sbr.rel @p0 .LBB2_2-.Ltmp0, $4  }
0x25: {  	[tilespmem:s10+$0x1030] =	vst v0  }
0x26: {  	[tilespmem:s10+$0x1040] =	vst v0  }
0x27: {  	[tilespmem:s10+$0x1050] =	vst v0  }
0x28: {  	[tilespmem:s10+$0x1060] =	vst v0;
	s10 =	sshra.s32 s11, $0x2;
	s11 =	sadd.s32 $0x200, s11  }
0x29: {  	[tilespmem:s10+$0x1070] =	vst v0  }
0x2a: {  	[tilespmem:s10+$0x1000] =	vst v0  }
0x2b: {  	[tilespmem:s10+$0x1010] =	vst v0  }
0x2c: {  	[tilespmem:s10+$0x1020] =	vst v0  }
0x2d: {  	[tilespmem:s10+$0x1030] =	vst v0  }
0x2e: {  	[tilespmem:s10+$0x1040] =	vst v0  }
0x2f: {  	[dreg:$0x19] =	wrdreg s9;
	[tilespmem:s10+$0x1050] =	vst v0  }
0x30: {  	[tilespmem:s10+$0x1060] =	vst v0;
	s5 =	rddreg [dreg:$0x12]  }
0x31: {  	[spmem:s5] =	stream.linear.scatter [tilespmem:s12], [sflag:$0x3], $0x4000, $0x38;
	[tilespmem:$0x1D000] =	vst v63  }
0x32: {  	_ =	swait.ge [sflag:s13], $0x4000  }
0x33: {  	[sflag:s13] =	ssyncset.done $0x0  }
0x34: {  	s9 =	rddreg [dreg:$0x13];
	[sflag:s13] =	ssyncadd.s32 $0xFFFFC000  }
0x35: {  	[spmem:s9] =	stream.linear.scatter [tilespmem:s12], [sflag:$0x3], $0x4000, $0x38;
	[tilespmem:$0x1D000] =	vst v63  }
0x36: {  	_ =	swait.ge [sflag:s13], $0x4000  }
0x37: {  	[sflag:s13] =	ssyncset.done $0x0  }
0x38: {  	s10 =	rddreg [dreg:$0x14];
	[sflag:s13] =	ssyncadd.s32 $0xFFFFC000  }
0x39: {  	[spmem:s10] =	stream.linear.scatter [tilespmem:s12], [sflag:$0x3], $0x4000, $0x38;
	[tilespmem:$0x1D000] =	vst v63  }
0x3a: {  	_ =	swait.ge [sflag:s13], $0x4000  }
0x3b: {  	[sflag:s13] =	ssyncset.done $0x0  }
0x3c: {  	s11 =	rddreg [dreg:$0x15];
	[sflag:s13] =	ssyncadd.s32 $0xFFFFC000  }
0x3d: {  	[spmem:s11] =	stream.linear.scatter [tilespmem:s12], [sflag:$0x3], $0x4000, $0x38;
	[tilespmem:$0x1D000] =	vst v63  }
0x3e: {  	_ =	swait.ge [sflag:s13], $0x4000  }
0x3f: {  	[sflag:s13] =	ssyncset.done $0x0  }
0x40: {  	s9 =	rddreg [dreg:$0x16];
	[sflag:s13] =	ssyncadd.s32 $0xFFFFC000  }
0x41: {  	[spmem:s9] =	stream.linear.scatter [tilespmem:s12], [sflag:$0x3], $0x4000, $0x38;
	[tilespmem:$0x1D000] =	vst v63  }
0x42: {  	_ =	swait.ge [sflag:s13], $0x4000  }
0x43: {  	[sflag:s13] =	ssyncset.done $0x0  }
0x44: {  	[sflag:s13] =	ssyncadd.s32 $0xFFFFC000  }
0x45: {  	[bflag:$0x0] =	sbarrier.arrive $0xFFFF  }
0x46: {  	s10 =	rddreg [dreg:$0x5]  }
0x47: {  	s5 =	sadd.s32 $0x0, s10  }
0x48: {  	[tilespmem:s4], [sflag:$0x3] =	stream.linear.gather [hbm4b:s5+s4], $0x800, $0x38;
	[tilespmem:$0x1D000] =	vst v63  }
0x49: {  	_ =	swait.ge [sflag:s13], $0x800  }
0x4a: {  	s11 =	rddreg [dreg:$0x4];
	[sflag:s13] =	ssyncset.done $0x0  }
0x4b: {  	[sflag:s13] =	ssyncadd.s32 $0xFFFFF800;
	s5 =	sadd.s32 $0x0, s11  }
0x4c: {  	[tilespmem:s14], [sflag:$0x3] =	stream.linear.gather [hbm4b:s5+s4], $0x800, $0x38;
	[tilespmem:$0x1D000] =	vst v63  }
0x4d: {  	_ =	swait.ge [sflag:s13], $0x800  }
0x4e: {  	[sflag:s13] =	ssyncset.done $0x0  }
0x4f: {  	[sflag:s13] =	ssyncadd.s32 $0xFFFFF800  }
0x50: {  	[tilespmem:s12], [sflag:$0x1] =	stream.indirect.gather [hbm4b:s1+s15], $0x80, s4, s15, $0xb8;
	[tilespmem:$0x1D000] =	vst v63  }
0x51: {  	_ = 	snop  }
0x52: {  	[tilespmem:s16], [sflag:$0x2] =	stream.indirect.gather [hbm4b:s1+s15], $0x80, s15, s15, $0xb8;
	[tilespmem:$0x1D000] =	vst v63  }
0x53: {  	_ =	swait.ge [sflag:s17], $0x4000  }
0x54: {  	[sflag:s17] =	ssyncset.done $0x0  }
0x55: {  	[sflag:s17] =	ssyncadd.s32 $0xFFFFC000  }
0x56: {  	[spmem:s3] =	stream.indirect.scatter.add.f32 [tilespmem:s12], [sflag:$0x3], $0x80, s14, s15, $0xb8;
	[tilespmem:$0x1D000] =	vst v63  }
0x57: {  	_ =	swait.ge [sflag:s13], $0x4000  }
0x58: {  	[sflag:s13] =	ssyncset.done $0x0  }
0x59: {  	s9 =	rddreg [dreg:$0x6];
	[sflag:s13] =	ssyncadd.s32 $0xFFFFC000  }
0x5a: {  	[tilespmem:s12], [sflag:$0x1] =	stream.indirect.gather [hbm4b:s1+s15], $0x80, s9, s15, $0xb8;
	[tilespmem:$0x1D000] =	vst v63  }
0x5b: {  	_ =	swait.ge [sflag:s18], $0x4000  }
0x5c: {  	[sflag:s18] =	ssyncset.done $0x0  }
0x5d: {  	s10 =	rddreg [dreg:$0x7];
	[sflag:s18] =	ssyncadd.s32 $0xFFFFC000  }
0x5e: {  	[spmem:s3] =	stream.indirect.scatter.add.f32 [tilespmem:s16], [sflag:$0x3], $0x80, s10, s15, $0xb8;
	[tilespmem:$0x1D000] =	vst v63  }
0x5f: {  	_ =	swait.ge [sflag:s13], $0x4000  }
0x60: {  	[sflag:s13] =	ssyncset.done $0x0  }
0x61: {  	s11 =	rddreg [dreg:$0x8];
	[sflag:s13] =	ssyncadd.s32 $0xFFFFC000  }
0x62: {  	[tilespmem:s16], [sflag:$0x2] =	stream.indirect.gather [hbm4b:s1+s15], $0x80, s11, s15, $0xb8;
	[tilespmem:$0x1D000] =	vst v63  }
0x63: {  	_ =	swait.ge [sflag:s17], $0x4000  }
0x64: {  	[sflag:s17] =	ssyncset.done $0x0  }
0x65: {  	s9 =	rddreg [dreg:$0x9];
	[sflag:s17] =	ssyncadd.s32 $0xFFFFC000  }
0x66: {  	[spmem:s3] =	stream.indirect.scatter.add.f32 [tilespmem:s12], [sflag:$0x3], $0x80, s9, s15, $0xb8;
	[tilespmem:$0x1D000] =	vst v63  }
0x67: {  	_ =	swait.ge [sflag:s13], $0x4000  }
0x68: {  	[sflag:s13] =	ssyncset.done $0x0  }
0x69: {  	s10 =	rddreg [dreg:$0xa];
	[sflag:s13] =	ssyncadd.s32 $0xFFFFC000  }
0x6a: {  	[tilespmem:s12], [sflag:$0x1] =	stream.indirect.gather [hbm4b:s1+s15], $0x80, s10, s15, $0xb8;
	[tilespmem:$0x1D000] =	vst v63  }
0x6b: {  	_ =	swait.ge [sflag:s18], $0x4000  }
0x6c: {  	[sflag:s18] =	ssyncset.done $0x0  }
0x6d: {  	s11 =	rddreg [dreg:$0xb];
	[sflag:s18] =	ssyncadd.s32 $0xFFFFC000  }
0x6e: {  	[spmem:s3] =	stream.indirect.scatter.add.f32 [tilespmem:s16], [sflag:$0x3], $0x80, s11, s15, $0xb8;
	[tilespmem:$0x1D000] =	vst v63  }
0x6f: {  	_ =	swait.ge [sflag:s13], $0x4000  }
0x70: {  	[sflag:s13] =	ssyncset.done $0x0  }
0x71: {  	s9 =	rddreg [dreg:$0xc];
	[sflag:s13] =	ssyncadd.s32 $0xFFFFC000  }
0x72: {  	[tilespmem:s16], [sflag:$0x2] =	stream.indirect.gather [hbm4b:s1+s15], $0x80, s9, s15, $0xb8;
	[tilespmem:$0x1D000] =	vst v63  }
0x73: {  	_ =	swait.ge [sflag:s17], $0x4000  }
0x74: {  	[sflag:s17] =	ssyncset.done $0x0  }
0x75: {  	s10 =	rddreg [dreg:$0xd];
	[sflag:s17] =	ssyncadd.s32 $0xFFFFC000  }
0x76: {  	[spmem:s3] =	stream.indirect.scatter.add.f32 [tilespmem:s12], [sflag:$0x3], $0x80, s10, s15, $0xb8;
	[tilespmem:$0x1D000] =	vst v63  }
0x77: {  	_ =	swait.ge [sflag:s13], $0x4000  }
0x78: {  	[sflag:s13] =	ssyncset.done $0x0  }
0x79: {  	s11 =	rddreg [dreg:$0xe];
	[sflag:s13] =	ssyncadd.s32 $0xFFFFC000  }
0x7a: {  	[tilespmem:s12], [sflag:$0x1] =	stream.indirect.gather [hbm4b:s1+s15], $0x80, s11, s15, $0xb8;
	[tilespmem:$0x1D000] =	vst v63  }
0x7b: {  	_ =	swait.ge [sflag:s18], $0x4000  }
0x7c: {  	[sflag:s18] =	ssyncset.done $0x0  }
0x7d: {  	s9 =	rddreg [dreg:$0xf];
	[sflag:s18] =	ssyncadd.s32 $0xFFFFC000  }
0x7e: {  	[spmem:s3] =	stream.indirect.scatter.add.f32 [tilespmem:s16], [sflag:$0x3], $0x80, s9, s15, $0xb8;
	[tilespmem:$0x1D000] =	vst v63  }
0x7f: {  	_ =	swait.ge [sflag:s13], $0x4000  }
0x80: {  	[sflag:s13] =	ssyncset.done $0x0  }
0x81: {  	s10 =	rddreg [dreg:$0x10];
	[sflag:s13] =	ssyncadd.s32 $0xFFFFC000  }
0x82: {  	[tilespmem:s16], [sflag:$0x2] =	stream.indirect.gather [hbm4b:s1+s15], $0x80, s10, s15, $0xb8;
	[tilespmem:$0x1D000] =	vst v63  }
0x83: {  	_ =	swait.ge [sflag:s17], $0x4000  }
0x84: {  	[sflag:s17] =	ssyncset.done $0x0  }
0x85: {  	s11 =	rddreg [dreg:$0x11];
	[sflag:s17] =	ssyncadd.s32 $0xFFFFC000  }
0x86: {  	[spmem:s3] =	stream.indirect.scatter.add.f32 [tilespmem:s12], [sflag:$0x3], $0x80, s11, s15, $0xb8;
	[tilespmem:$0x1D000] =	vst v63  }
0x87: {  	_ =	swait.ge [sflag:s13], $0x4000  }
0x88: {  	[sflag:s13] =	ssyncset.done $0x0  }
0x89: {  	[sflag:s13] =	ssyncadd.s32 $0xFFFFC000  }
0x8a: {  	[tilespmem:s12], [sflag:$0x1] =	stream.indirect.gather [hbm4b:s1+s15], $0x80, s19, s15, $0xb8;
	[tilespmem:$0x1D000] =	vst v63  }
0x8b: {  	_ =	swait.ge [sflag:s18], $0x4000  }
0x8c: {  	[sflag:s18] =	ssyncset.done $0x0  }
0x8d: {  	[sflag:s18] =	ssyncadd.s32 $0xFFFFC000  }
0x8e: {  	[spmem:s3] =	stream.indirect.scatter.add.f32 [tilespmem:s16], [sflag:$0x3], $0x80, s20, s15, $0xb8;
	[tilespmem:$0x1D000] =	vst v63  }
0x8f: {  	_ =	swait.ge [sflag:s13], $0x4000  }
0x90: {  	[sflag:s13] =	ssyncset.done $0x0  }
0x91: {  	[sflag:s13] =	ssyncadd.s32 $0xFFFFC000  }
0x92: {  	[tilespmem:s16], [sflag:$0x2] =	stream.indirect.gather [hbm4b:s1+s15], $0x80, s21, s15, $0xb8;
	[tilespmem:$0x1D000] =	vst v63  }
0x93: {  	_ =	swait.ge [sflag:s17], $0x4000  }
0x94: {  	[sflag:s17] =	ssyncset.done $0x0  }
0x95: {  	[sflag:s17] =	ssyncadd.s32 $0xFFFFC000  }
0x96: {  	[spmem:s3] =	stream.indirect.scatter.add.f32 [tilespmem:s12], [sflag:$0x3], $0x80, s22, s15, $0xb8;
	[tilespmem:$0x1D000] =	vst v63  }
0x97: {  	_ =	swait.ge [sflag:s13], $0x4000  }
0x98: {  	[sflag:s13] =	ssyncset.done $0x0  }
0x99: {  	[sflag:s13] =	ssyncadd.s32 $0xFFFFC000  }
0x9a: {  	[tilespmem:s12], [sflag:$0x1] =	stream.indirect.gather [hbm4b:s1+s15], $0x80, s23, s15, $0xb8;
	[tilespmem:$0x1D000] =	vst v63  }
0x9b: {  	_ =	swait.ge [sflag:s18], $0x4000  }
0x9c: {  	[sflag:s18] =	ssyncset.done $0x0  }
0x9d: {  	[sflag:s18] =	ssyncadd.s32 $0xFFFFC000  }
0x9e: {  	[spmem:s3] =	stream.indirect.scatter.add.f32 [tilespmem:s16], [sflag:$0x3], $0x80, s24, s15, $0xb8;
	[tilespmem:$0x1D000] =	vst v63  }
0x9f: {  	_ =	swait.ge [sflag:s13], $0x4000  }
0xa0: {  	[sflag:s13] =	ssyncset.done $0x0  }
0xa1: {  	[sflag:s13] =	ssyncadd.s32 $0xFFFFC000  }
0xa2: {  	[tilespmem:s16], [sflag:$0x2] =	stream.indirect.gather [hbm4b:s1+s15], $0x80, s25, s15, $0xb8;
	[tilespmem:$0x1D000] =	vst v63  }
0xa3: {  	_ =	swait.ge [sflag:s17], $0x4000  }
0xa4: {  	[sflag:s17] =	ssyncset.done $0x0  }
0xa5: {  	[sflag:s17] =	ssyncadd.s32 $0xFFFFC000  }
0xa6: {  	[spmem:s3] =	stream.indirect.scatter.add.f32 [tilespmem:s12], [sflag:$0x3], $0x80, s26, s15, $0xb8;
	[tilespmem:$0x1D000] =	vst v63  }
0xa7: {  	_ =	swait.ge [sflag:s13], $0x4000  }
0xa8: {  	[sflag:s13] =	ssyncset.done $0x0  }
0xa9: {  	[sflag:s13] =	ssyncadd.s32 $0xFFFFC000  }
0xaa: {  	[tilespmem:s12], [sflag:$0x1] =	stream.indirect.gather [hbm4b:s1+s15], $0x80, s28, s15, $0xb8;
	[tilespmem:$0x1D000] =	vst v63  }
0xab: {  	_ =	swait.ge [sflag:s18], $0x4000  }
0xac: {  	[sflag:s18] =	ssyncset.done $0x0  }
0xad: {  	[sflag:s18] =	ssyncadd.s32 $0xFFFFC000  }
0xae: {  	[spmem:s3] =	stream.indirect.scatter.add.f32 [tilespmem:s16], [sflag:$0x3], $0x80, s29, s15, $0xb8;
	[tilespmem:$0x1D000] =	vst v63  }
0xaf: {  	_ =	swait.ge [sflag:s13], $0x4000  }
0xb0: {  	[sflag:s13] =	ssyncset.done $0x0  }
0xb1: {  	[sflag:s13] =	ssyncadd.s32 $0xFFFFC000  }
0xb2: {  	[tilespmem:s16], [sflag:$0x2] =	stream.indirect.gather [hbm4b:s1+s15], $0x80, s30, s15, $0xb8;
	[tilespmem:$0x1D000] =	vst v63  }
0xb3: {  	_ =	swait.ge [sflag:s17], $0x4000  }
0xb4: {  	[sflag:s17] =	ssyncset.done $0x0  }
0xb5: {  	[sflag:s17] =	ssyncadd.s32 $0xFFFFC000  }
0xb6: {  	[spmem:s3] =	stream.indirect.scatter.add.f32 [tilespmem:s12], [sflag:$0x3], $0x80, s31, s15, $0xb8;
	[tilespmem:$0x1D000] =	vst v63  }
0xb7: {  	_ =	swait.ge [sflag:s13], $0x4000  }
0xb8: {  	[sflag:s13] =	ssyncset.done $0x0  }
0xb9: {  	[sflag:s13] =	ssyncadd.s32 $0xFFFFC000  }
0xba: {  	[tilespmem:s12], [sflag:$0x1] =	stream.indirect.gather [hbm4b:s1+s15], $0x80, s2, s15, $0xb8;
	[tilespmem:$0x1D000] =	vst v63  }
0xbb: {  	_ =	swait.ge [sflag:s18], $0x4000  }
0xbc: {  	[sflag:s18] =	ssyncset.done $0x0  }
0xbd: {  	[sflag:s18] =	ssyncadd.s32 $0xFFFFC000  }
0xbe: {  	[spmem:s3] =	stream.indirect.scatter.add.f32 [tilespmem:s16], [sflag:$0x3], $0x80, s0, s15, $0xb8;
	[tilespmem:$0x1D000] =	vst v63  }
0xbf: {  	_ =	swait.ge [sflag:s13], $0x4000  }
0xc0: {  	[sflag:s13] =	ssyncset.done $0x0  }
0xc1: {  	[sflag:s13] =	ssyncadd.s32 $0xFFFFC000  }
0xc2: {  	[tilespmem:s16], [sflag:$0x2] =	stream.indirect.gather [hbm4b:s1+s15], $0x80, s6, s15, $0xb8;
	[tilespmem:$0x1D000] =	vst v63  }
0xc3: {  	_ =	swait.ge [sflag:s17], $0x4000  }
0xc4: {  	[sflag:s17] =	ssyncset.done $0x0  }
0xc5: {  	[sflag:s17] =	ssyncadd.s32 $0xFFFFC000  }
0xc6: {  	[spmem:s3] =	stream.indirect.scatter.add.f32 [tilespmem:s12], [sflag:$0x3], $0x80, s7, s15, $0xb8;
	[tilespmem:$0x1D000] =	vst v63  }
0xc7: {  	_ =	swait.ge [sflag:s13], $0x4000  }
0xc8: {  	[sflag:s13] =	ssyncset.done $0x0  }
0xc9: {  	[sflag:s13] =	ssyncadd.s32 $0xFFFFC000  }
0xca: {  	_ =	swait.ge [sflag:s18], $0x4000  }
0xcb: {  	[sflag:s18] =	ssyncset.done $0x0  }
0xcc: {  	[sflag:s18] =	ssyncadd.s32 $0xFFFFC000  }
0xcd: {  	[spmem:s3] =	stream.indirect.scatter.add.f32 [tilespmem:s16], [sflag:$0x3], $0x80, s8, s15, $0xb8;
	[tilespmem:$0x1D000] =	vst v63  }
0xce: {  	s10 =	simm.s32 $0x100;
	_ =	swait.ge [sflag:s13], $0x4000  }
0xcf: {  	s11 =	simm.s32 $0x200;
	s5 =	rddreg [dreg:$0x5];
	[sflag:s13] =	ssyncset.done $0x0  }
.LBB2_4:
0xd0: {  	[sflag:s13] =	ssyncadd.s32 $0xFFFFC000;
	s5 =	sadd.s32 s10, s5  }
0xd1: {  	[tilespmem:s4], [sflag:$0x3] =	stream.linear.gather [hbm4b:s5+s4], $0x800, $0x38;
	[tilespmem:$0x1D000] =	vst v63  }
0xd2: {  	_ =	swait.ge [sflag:s13], $0x800  }
0xd3: {  	s5 =	rddreg [dreg:$0x4];
	[sflag:s13] =	ssyncset.done $0x0  }
0xd4: {  	[sflag:s13] =	ssyncadd.s32 $0xFFFFF800;
	s5 =	sadd.s32 s10, s5  }
0xd5: {  	[tilespmem:s14], [sflag:$0x3] =	stream.linear.gather [hbm4b:s5+s4], $0x800, $0x38;
	[tilespmem:$0x1D000] =	vst v63  }
0xd6: {  	_ =	swait.ge [sflag:s13], $0x800  }
0xd7: {  	[sflag:s13] =	ssyncset.done $0x0  }
0xd8: {  	[sflag:s13] =	ssyncadd.s32 $0xFFFFF800  }
0xd9: {  	[tilespmem:s12], [sflag:$0x1] =	stream.indirect.gather [hbm4b:s1+s15], $0x80, s4, s15, $0xb8;
	[tilespmem:$0x1D000] =	vst v63  }
0xda: {  	_ = 	snop  }
0xdb: {  	[tilespmem:s16], [sflag:$0x2] =	stream.indirect.gather [hbm4b:s1+s15], $0x80, s15, s15, $0xb8;
	[tilespmem:$0x1D000] =	vst v63  }
0xdc: {  	_ =	swait.ge [sflag:s17], $0x4000  }
0xdd: {  	[sflag:s17] =	ssyncset.done $0x0  }
0xde: {  	[sflag:s17] =	ssyncadd.s32 $0xFFFFC000  }
0xdf: {  	[spmem:s3] =	stream.indirect.scatter.add.f32 [tilespmem:s12], [sflag:$0x3], $0x80, s14, s15, $0xb8;
	[tilespmem:$0x1D000] =	vst v63  }
0xe0: {  	_ =	swait.ge [sflag:s13], $0x4000  }
0xe1: {  	s9 =	smov.u32 s11;
	[sflag:s13] =	ssyncset.done $0x0  }
0xe2: {  	s10 =	smov.u32 s9;
	s9 =	rddreg [dreg:$0x6];
	[sflag:s13] =	ssyncadd.s32 $0xFFFFC000  }
0xe3: {  	[tilespmem:s12], [sflag:$0x1] =	stream.indirect.gather [hbm4b:s1+s15], $0x80, s9, s15, $0xb8;
	[tilespmem:$0x1D000] =	vst v63  }
0xe4: {  	_ =	swait.ge [sflag:s18], $0x4000  }
0xe5: {  	[sflag:s18] =	ssyncset.done $0x0  }
0xe6: {  	s9 =	rddreg [dreg:$0x7];
	[sflag:s18] =	ssyncadd.s32 $0xFFFFC000  }
0xe7: {  	[spmem:s3] =	stream.indirect.scatter.add.f32 [tilespmem:s16], [sflag:$0x3], $0x80, s9, s15, $0xb8;
	[tilespmem:$0x1D000] =	vst v63  }
0xe8: {  	_ =	swait.ge [sflag:s13], $0x4000  }
0xe9: {  	[sflag:s13] =	ssyncset.done $0x0  }
0xea: {  	s9 =	rddreg [dreg:$0x8];
	[sflag:s13] =	ssyncadd.s32 $0xFFFFC000  }
0xeb: {  	[tilespmem:s16], [sflag:$0x2] =	stream.indirect.gather [hbm4b:s1+s15], $0x80, s9, s15, $0xb8;
	[tilespmem:$0x1D000] =	vst v63  }
0xec: {  	_ =	swait.ge [sflag:s17], $0x4000  }
0xed: {  	[sflag:s17] =	ssyncset.done $0x0  }
0xee: {  	s9 =	rddreg [dreg:$0x9];
	[sflag:s17] =	ssyncadd.s32 $0xFFFFC000  }
0xef: {  	[spmem:s3] =	stream.indirect.scatter.add.f32 [tilespmem:s12], [sflag:$0x3], $0x80, s9, s15, $0xb8;
	[tilespmem:$0x1D000] =	vst v63  }
0xf0: {  	_ =	swait.ge [sflag:s13], $0x4000  }
0xf1: {  	[sflag:s13] =	ssyncset.done $0x0  }
0xf2: {  	s9 =	rddreg [dreg:$0xa];
	[sflag:s13] =	ssyncadd.s32 $0xFFFFC000  }
0xf3: {  	[tilespmem:s12], [sflag:$0x1] =	stream.indirect.gather [hbm4b:s1+s15], $0x80, s9, s15, $0xb8;
	[tilespmem:$0x1D000] =	vst v63  }
0xf4: {  	_ =	swait.ge [sflag:s18], $0x4000  }
0xf5: {  	[sflag:s18] =	ssyncset.done $0x0  }
0xf6: {  	s9 =	rddreg [dreg:$0xb];
	[sflag:s18] =	ssyncadd.s32 $0xFFFFC000  }
0xf7: {  	[spmem:s3] =	stream.indirect.scatter.add.f32 [tilespmem:s16], [sflag:$0x3], $0x80, s9, s15, $0xb8;
	[tilespmem:$0x1D000] =	vst v63  }
0xf8: {  	_ =	swait.ge [sflag:s13], $0x4000  }
0xf9: {  	[sflag:s13] =	ssyncset.done $0x0  }
0xfa: {  	s9 =	rddreg [dreg:$0xc];
	[sflag:s13] =	ssyncadd.s32 $0xFFFFC000  }
0xfb: {  	[tilespmem:s16], [sflag:$0x2] =	stream.indirect.gather [hbm4b:s1+s15], $0x80, s9, s15, $0xb8;
	[tilespmem:$0x1D000] =	vst v63  }
0xfc: {  	_ =	swait.ge [sflag:s17], $0x4000  }
0xfd: {  	[sflag:s17] =	ssyncset.done $0x0  }
0xfe: {  	s9 =	rddreg [dreg:$0xd];
	[sflag:s17] =	ssyncadd.s32 $0xFFFFC000  }
0xff: {  	[spmem:s3] =	stream.indirect.scatter.add.f32 [tilespmem:s12], [sflag:$0x3], $0x80, s9, s15, $0xb8;
	[tilespmem:$0x1D000] =	vst v63  }
0x100: {  	_ =	swait.ge [sflag:s13], $0x4000  }
0x101: {  	[sflag:s13] =	ssyncset.done $0x0  }
0x102: {  	s9 =	rddreg [dreg:$0xe];
	[sflag:s13] =	ssyncadd.s32 $0xFFFFC000  }
0x103: {  	[tilespmem:s12], [sflag:$0x1] =	stream.indirect.gather [hbm4b:s1+s15], $0x80, s9, s15, $0xb8;
	[tilespmem:$0x1D000] =	vst v63  }
0x104: {  	_ =	swait.ge [sflag:s18], $0x4000  }
0x105: {  	[sflag:s18] =	ssyncset.done $0x0  }
0x106: {  	s9 =	rddreg [dreg:$0xf];
	[sflag:s18] =	ssyncadd.s32 $0xFFFFC000  }
0x107: {  	[spmem:s3] =	stream.indirect.scatter.add.f32 [tilespmem:s16], [sflag:$0x3], $0x80, s9, s15, $0xb8;
	[tilespmem:$0x1D000] =	vst v63  }
0x108: {  	_ =	swait.ge [sflag:s13], $0x4000  }
0x109: {  	[sflag:s13] =	ssyncset.done $0x0  }
0x10a: {  	s9 =	rddreg [dreg:$0x10];
	[sflag:s13] =	ssyncadd.s32 $0xFFFFC000  }
0x10b: {  	[tilespmem:s16], [sflag:$0x2] =	stream.indirect.gather [hbm4b:s1+s15], $0x80, s9, s15, $0xb8;
	[tilespmem:$0x1D000] =	vst v63  }
0x10c: {  	_ =	swait.ge [sflag:s17], $0x4000  }
0x10d: {  	[sflag:s17] =	ssyncset.done $0x0  }
0x10e: {  	s9 =	rddreg [dreg:$0x11];
	[sflag:s17] =	ssyncadd.s32 $0xFFFFC000  }
0x10f: {  	[spmem:s3] =	stream.indirect.scatter.add.f32 [tilespmem:s12], [sflag:$0x3], $0x80, s9, s15, $0xb8;
	[tilespmem:$0x1D000] =	vst v63  }
0x110: {  	_ =	swait.ge [sflag:s13], $0x4000  }
0x111: {  	[sflag:s13] =	ssyncset.done $0x0  }
0x112: {  	[sflag:s13] =	ssyncadd.s32 $0xFFFFC000  }
0x113: {  	[tilespmem:s12], [sflag:$0x1] =	stream.indirect.gather [hbm4b:s1+s15], $0x80, s19, s15, $0xb8;
	[tilespmem:$0x1D000] =	vst v63  }
0x114: {  	_ =	swait.ge [sflag:s18], $0x4000  }
0x115: {  	[sflag:s18] =	ssyncset.done $0x0  }
0x116: {  	[sflag:s18] =	ssyncadd.s32 $0xFFFFC000  }
0x117: {  	[spmem:s3] =	stream.indirect.scatter.add.f32 [tilespmem:s16], [sflag:$0x3], $0x80, s20, s15, $0xb8;
	[tilespmem:$0x1D000] =	vst v63  }
0x118: {  	_ =	swait.ge [sflag:s13], $0x4000  }
0x119: {  	[sflag:s13] =	ssyncset.done $0x0  }
0x11a: {  	[sflag:s13] =	ssyncadd.s32 $0xFFFFC000  }
0x11b: {  	[tilespmem:s16], [sflag:$0x2] =	stream.indirect.gather [hbm4b:s1+s15], $0x80, s21, s15, $0xb8;
	[tilespmem:$0x1D000] =	vst v63  }
0x11c: {  	_ =	swait.ge [sflag:s17], $0x4000  }
0x11d: {  	[sflag:s17] =	ssyncset.done $0x0  }
0x11e: {  	[sflag:s17] =	ssyncadd.s32 $0xFFFFC000  }
0x11f: {  	[spmem:s3] =	stream.indirect.scatter.add.f32 [tilespmem:s12], [sflag:$0x3], $0x80, s22, s15, $0xb8;
	[tilespmem:$0x1D000] =	vst v63  }
0x120: {  	_ =	swait.ge [sflag:s13], $0x4000  }
0x121: {  	[sflag:s13] =	ssyncset.done $0x0  }
0x122: {  	[sflag:s13] =	ssyncadd.s32 $0xFFFFC000  }
0x123: {  	[tilespmem:s12], [sflag:$0x1] =	stream.indirect.gather [hbm4b:s1+s15], $0x80, s23, s15, $0xb8;
	[tilespmem:$0x1D000] =	vst v63  }
0x124: {  	_ =	swait.ge [sflag:s18], $0x4000  }
0x125: {  	[sflag:s18] =	ssyncset.done $0x0  }
0x126: {  	[sflag:s18] =	ssyncadd.s32 $0xFFFFC000  }
0x127: {  	[spmem:s3] =	stream.indirect.scatter.add.f32 [tilespmem:s16], [sflag:$0x3], $0x80, s24, s15, $0xb8;
	[tilespmem:$0x1D000] =	vst v63  }
0x128: {  	_ =	swait.ge [sflag:s13], $0x4000  }
0x129: {  	[sflag:s13] =	ssyncset.done $0x0  }
0x12a: {  	[sflag:s13] =	ssyncadd.s32 $0xFFFFC000  }
0x12b: {  	[tilespmem:s16], [sflag:$0x2] =	stream.indirect.gather [hbm4b:s1+s15], $0x80, s25, s15, $0xb8;
	[tilespmem:$0x1D000] =	vst v63  }
0x12c: {  	_ =	swait.ge [sflag:s17], $0x4000  }
0x12d: {  	[sflag:s17] =	ssyncset.done $0x0  }
0x12e: {  	[sflag:s17] =	ssyncadd.s32 $0xFFFFC000  }
0x12f: {  	[spmem:s3] =	stream.indirect.scatter.add.f32 [tilespmem:s12], [sflag:$0x3], $0x80, s26, s15, $0xb8;
	[tilespmem:$0x1D000] =	vst v63  }
0x130: {  	_ =	swait.ge [sflag:s13], $0x4000  }
0x131: {  	[sflag:s13] =	ssyncset.done $0x0  }
0x132: {  	[sflag:s13] =	ssyncadd.s32 $0xFFFFC000  }
0x133: {  	[tilespmem:s12], [sflag:$0x1] =	stream.indirect.gather [hbm4b:s1+s15], $0x80, s28, s15, $0xb8;
	[tilespmem:$0x1D000] =	vst v63  }
0x134: {  	_ =	swait.ge [sflag:s18], $0x4000  }
0x135: {  	[sflag:s18] =	ssyncset.done $0x0  }
0x136: {  	[sflag:s18] =	ssyncadd.s32 $0xFFFFC000  }
0x137: {  	[spmem:s3] =	stream.indirect.scatter.add.f32 [tilespmem:s16], [sflag:$0x3], $0x80, s29, s15, $0xb8;
	[tilespmem:$0x1D000] =	vst v63  }
0x138: {  	_ =	swait.ge [sflag:s13], $0x4000  }
0x139: {  	[sflag:s13] =	ssyncset.done $0x0  }
0x13a: {  	[sflag:s13] =	ssyncadd.s32 $0xFFFFC000  }
0x13b: {  	[tilespmem:s16], [sflag:$0x2] =	stream.indirect.gather [hbm4b:s1+s15], $0x80, s30, s15, $0xb8;
	[tilespmem:$0x1D000] =	vst v63  }
0x13c: {  	_ =	swait.ge [sflag:s17], $0x4000  }
0x13d: {  	[sflag:s17] =	ssyncset.done $0x0  }
0x13e: {  	[sflag:s17] =	ssyncadd.s32 $0xFFFFC000  }
0x13f: {  	[spmem:s3] =	stream.indirect.scatter.add.f32 [tilespmem:s12], [sflag:$0x3], $0x80, s31, s15, $0xb8;
	[tilespmem:$0x1D000] =	vst v63  }
0x140: {  	_ =	swait.ge [sflag:s13], $0x4000  }
0x141: {  	[sflag:s13] =	ssyncset.done $0x0  }
0x142: {  	[sflag:s13] =	ssyncadd.s32 $0xFFFFC000  }
0x143: {  	[tilespmem:s12], [sflag:$0x1] =	stream.indirect.gather [hbm4b:s1+s15], $0x80, s2, s15, $0xb8;
	[tilespmem:$0x1D000] =	vst v63  }
0x144: {  	_ =	swait.ge [sflag:s18], $0x4000  }
0x145: {  	[sflag:s18] =	ssyncset.done $0x0  }
0x146: {  	[sflag:s18] =	ssyncadd.s32 $0xFFFFC000  }
0x147: {  	[spmem:s3] =	stream.indirect.scatter.add.f32 [tilespmem:s16], [sflag:$0x3], $0x80, s0, s15, $0xb8;
	[tilespmem:$0x1D000] =	vst v63  }
0x148: {  	_ =	swait.ge [sflag:s13], $0x4000  }
0x149: {  	[sflag:s13] =	ssyncset.done $0x0  }
0x14a: {  	[sflag:s13] =	ssyncadd.s32 $0xFFFFC000  }
0x14b: {  	[tilespmem:s16], [sflag:$0x2] =	stream.indirect.gather [hbm4b:s1+s15], $0x80, s6, s15, $0xb8;
	[tilespmem:$0x1D000] =	vst v63  }
0x14c: {  	_ =	swait.ge [sflag:s17], $0x4000  }
0x14d: {  	[sflag:s17] =	ssyncset.done $0x0  }
0x14e: {  	[sflag:s17] =	ssyncadd.s32 $0xFFFFC000  }
0x14f: {  	[spmem:s3] =	stream.indirect.scatter.add.f32 [tilespmem:s12], [sflag:$0x3], $0x80, s7, s15, $0xb8;
	[tilespmem:$0x1D000] =	vst v63  }
0x150: {  	_ =	swait.ge [sflag:s13], $0x4000  }
0x151: {  	[sflag:s13] =	ssyncset.done $0x0  }
0x152: {  	[sflag:s13] =	ssyncadd.s32 $0xFFFFC000  }
0x153: {  	p0 =	sne.s32 s11, $0x400;
	_ =	swait.ge [sflag:s18], $0x4000  }
.Ltmp1:
0x154: {  	[sflag:s18] =	ssyncset.done $0x0;
	(pc) =	sbr.rel @p0 .LBB2_4-.Ltmp1, $4  }
0x155: {  	[sflag:s18] =	ssyncadd.s32 $0xFFFFC000  }
0x156: {  	[spmem:s3] =	stream.indirect.scatter.add.f32 [tilespmem:s16], [sflag:$0x3], $0x80, s8, s15, $0xb8;
	[tilespmem:$0x1D000] =	vst v63  }
0x157: {  	_ =	swait.ge [sflag:s13], $0x4000  }
0x158: {  	s11 =	sadd.s32 $0x100, s11;
	s5 =	rddreg [dreg:$0x5];
	[sflag:s13] =	ssyncset.done $0x0  }
0x159: {  	[sflag:s13] =	ssyncadd.s32 $0xFFFFC000;
	s5 =	sadd.s32 s10, s5  }
0x15a: {  	[tilespmem:s4], [sflag:$0x3] =	stream.linear.gather [hbm4b:s5+s4], $0x800, $0x38;
	[tilespmem:$0x1D000] =	vst v63  }
0x15b: {  	_ =	swait.ge [sflag:s13], $0x800  }
0x15c: {  	s9 =	rddreg [dreg:$0x4];
	[sflag:s13] =	ssyncset.done $0x0  }
0x15d: {  	[sflag:s13] =	ssyncadd.s32 $0xFFFFF800;
	s5 =	sadd.s32 s10, s9  }
0x15e: {  	[tilespmem:s14], [sflag:$0x3] =	stream.linear.gather [hbm4b:s5+s4], $0x800, $0x38;
	[tilespmem:$0x1D000] =	vst v63  }
0x15f: {  	_ =	swait.ge [sflag:s13], $0x800  }
0x160: {  	[sflag:s13] =	ssyncset.done $0x0  }
0x161: {  	[sflag:s13] =	ssyncadd.s32 $0xFFFFF800  }
0x162: {  	[tilespmem:s12], [sflag:$0x1] =	stream.indirect.gather [hbm4b:s1+s15], $0x80, s4, s15, $0xb8;
	[tilespmem:$0x1D000] =	vst v63  }
0x163: {  	_ = 	snop  }
0x164: {  	[tilespmem:s16], [sflag:$0x2] =	stream.indirect.gather [hbm4b:s1+s15], $0x80, s15, s15, $0xb8;
	[tilespmem:$0x1D000] =	vst v63  }
0x165: {  	_ =	swait.ge [sflag:s17], $0x4000  }
0x166: {  	[sflag:s17] =	ssyncset.done $0x0  }
0x167: {  	[sflag:s17] =	ssyncadd.s32 $0xFFFFC000  }
0x168: {  	[spmem:s3] =	stream.indirect.scatter.add.f32 [tilespmem:s12], [sflag:$0x3], $0x80, s14, s15, $0xb8;
	[tilespmem:$0x1D000] =	vst v63  }
0x169: {  	_ =	swait.ge [sflag:s13], $0x4000  }
0x16a: {  	[sflag:s13] =	ssyncset.done $0x0  }
0x16b: {  	s10 =	rddreg [dreg:$0x6];
	[sflag:s13] =	ssyncadd.s32 $0xFFFFC000  }
0x16c: {  	[tilespmem:s12], [sflag:$0x1] =	stream.indirect.gather [hbm4b:s1+s15], $0x80, s10, s15, $0xb8;
	[tilespmem:$0x1D000] =	vst v63  }
0x16d: {  	_ =	swait.ge [sflag:s18], $0x4000  }
0x16e: {  	[sflag:s18] =	ssyncset.done $0x0  }
0x16f: {  	s11 =	rddreg [dreg:$0x7];
	[sflag:s18] =	ssyncadd.s32 $0xFFFFC000  }
0x170: {  	[spmem:s3] =	stream.indirect.scatter.add.f32 [tilespmem:s16], [sflag:$0x3], $0x80, s11, s15, $0xb8;
	[tilespmem:$0x1D000] =	vst v63  }
0x171: {  	_ =	swait.ge [sflag:s13], $0x4000  }
0x172: {  	[sflag:s13] =	ssyncset.done $0x0  }
0x173: {  	s9 =	rddreg [dreg:$0x8];
	[sflag:s13] =	ssyncadd.s32 $0xFFFFC000  }
0x174: {  	[tilespmem:s16], [sflag:$0x2] =	stream.indirect.gather [hbm4b:s1+s15], $0x80, s9, s15, $0xb8;
	[tilespmem:$0x1D000] =	vst v63  }
0x175: {  	_ =	swait.ge [sflag:s17], $0x4000  }
0x176: {  	[sflag:s17] =	ssyncset.done $0x0  }
0x177: {  	s10 =	rddreg [dreg:$0x9];
	[sflag:s17] =	ssyncadd.s32 $0xFFFFC000  }
0x178: {  	[spmem:s3] =	stream.indirect.scatter.add.f32 [tilespmem:s12], [sflag:$0x3], $0x80, s10, s15, $0xb8;
	[tilespmem:$0x1D000] =	vst v63  }
0x179: {  	_ =	swait.ge [sflag:s13], $0x4000  }
0x17a: {  	[sflag:s13] =	ssyncset.done $0x0  }
0x17b: {  	s11 =	rddreg [dreg:$0xa];
	[sflag:s13] =	ssyncadd.s32 $0xFFFFC000  }
0x17c: {  	[tilespmem:s12], [sflag:$0x1] =	stream.indirect.gather [hbm4b:s1+s15], $0x80, s11, s15, $0xb8;
	[tilespmem:$0x1D000] =	vst v63  }
0x17d: {  	_ =	swait.ge [sflag:s18], $0x4000  }
0x17e: {  	[sflag:s18] =	ssyncset.done $0x0  }
0x17f: {  	s9 =	rddreg [dreg:$0xb];
	[sflag:s18] =	ssyncadd.s32 $0xFFFFC000  }
0x180: {  	[spmem:s3] =	stream.indirect.scatter.add.f32 [tilespmem:s16], [sflag:$0x3], $0x80, s9, s15, $0xb8;
	[tilespmem:$0x1D000] =	vst v63  }
0x181: {  	_ =	swait.ge [sflag:s13], $0x4000  }
0x182: {  	[sflag:s13] =	ssyncset.done $0x0  }
0x183: {  	s10 =	rddreg [dreg:$0xc];
	[sflag:s13] =	ssyncadd.s32 $0xFFFFC000  }
0x184: {  	[tilespmem:s16], [sflag:$0x2] =	stream.indirect.gather [hbm4b:s1+s15], $0x80, s10, s15, $0xb8;
	[tilespmem:$0x1D000] =	vst v63  }
0x185: {  	_ =	swait.ge [sflag:s17], $0x4000  }
0x186: {  	[sflag:s17] =	ssyncset.done $0x0  }
0x187: {  	s11 =	rddreg [dreg:$0xd];
	[sflag:s17] =	ssyncadd.s32 $0xFFFFC000  }
0x188: {  	[spmem:s3] =	stream.indirect.scatter.add.f32 [tilespmem:s12], [sflag:$0x3], $0x80, s11, s15, $0xb8;
	[tilespmem:$0x1D000] =	vst v63  }
0x189: {  	_ =	swait.ge [sflag:s13], $0x4000  }
0x18a: {  	[sflag:s13] =	ssyncset.done $0x0  }
0x18b: {  	s9 =	rddreg [dreg:$0xe];
	[sflag:s13] =	ssyncadd.s32 $0xFFFFC000  }
0x18c: {  	[tilespmem:s12], [sflag:$0x1] =	stream.indirect.gather [hbm4b:s1+s15], $0x80, s9, s15, $0xb8;
	[tilespmem:$0x1D000] =	vst v63  }
0x18d: {  	_ =	swait.ge [sflag:s18], $0x4000  }
0x18e: {  	[sflag:s18] =	ssyncset.done $0x0  }
0x18f: {  	s10 =	rddreg [dreg:$0xf];
	[sflag:s18] =	ssyncadd.s32 $0xFFFFC000  }
0x190: {  	[spmem:s3] =	stream.indirect.scatter.add.f32 [tilespmem:s16], [sflag:$0x3], $0x80, s10, s15, $0xb8;
	[tilespmem:$0x1D000] =	vst v63  }
0x191: {  	_ =	swait.ge [sflag:s13], $0x4000  }
0x192: {  	[sflag:s13] =	ssyncset.done $0x0  }
0x193: {  	s11 =	rddreg [dreg:$0x10];
	[sflag:s13] =	ssyncadd.s32 $0xFFFFC000  }
0x194: {  	[tilespmem:s16], [sflag:$0x2] =	stream.indirect.gather [hbm4b:s1+s15], $0x80, s11, s15, $0xb8;
	[tilespmem:$0x1D000] =	vst v63  }
0x195: {  	_ =	swait.ge [sflag:s17], $0x4000  }
0x196: {  	[sflag:s17] =	ssyncset.done $0x0  }
0x197: {  	s9 =	rddreg [dreg:$0x11];
	[sflag:s17] =	ssyncadd.s32 $0xFFFFC000  }
0x198: {  	[spmem:s3] =	stream.indirect.scatter.add.f32 [tilespmem:s12], [sflag:$0x3], $0x80, s9, s15, $0xb8;
	[tilespmem:$0x1D000] =	vst v63  }
0x199: {  	_ =	swait.ge [sflag:s13], $0x4000  }
0x19a: {  	[sflag:s13] =	ssyncset.done $0x0  }
0x19b: {  	[sflag:s13] =	ssyncadd.s32 $0xFFFFC000  }
0x19c: {  	[tilespmem:s12], [sflag:$0x1] =	stream.indirect.gather [hbm4b:s1+s15], $0x80, s19, s15, $0xb8;
	[tilespmem:$0x1D000] =	vst v63  }
0x19d: {  	_ =	swait.ge [sflag:s18], $0x4000  }
0x19e: {  	[sflag:s18] =	ssyncset.done $0x0  }
0x19f: {  	[sflag:s18] =	ssyncadd.s32 $0xFFFFC000  }
0x1a0: {  	[spmem:s3] =	stream.indirect.scatter.add.f32 [tilespmem:s16], [sflag:$0x3], $0x80, s20, s15, $0xb8;
	[tilespmem:$0x1D000] =	vst v63  }
0x1a1: {  	_ =	swait.ge [sflag:s13], $0x4000  }
0x1a2: {  	[sflag:s13] =	ssyncset.done $0x0  }
0x1a3: {  	[sflag:s13] =	ssyncadd.s32 $0xFFFFC000  }
0x1a4: {  	[tilespmem:s16], [sflag:$0x2] =	stream.indirect.gather [hbm4b:s1+s15], $0x80, s21, s15, $0xb8;
	[tilespmem:$0x1D000] =	vst v63  }
0x1a5: {  	_ =	swait.ge [sflag:s17], $0x4000  }
0x1a6: {  	[sflag:s17] =	ssyncset.done $0x0  }
0x1a7: {  	[sflag:s17] =	ssyncadd.s32 $0xFFFFC000  }
0x1a8: {  	[spmem:s3] =	stream.indirect.scatter.add.f32 [tilespmem:s12], [sflag:$0x3], $0x80, s22, s15, $0xb8;
	[tilespmem:$0x1D000] =	vst v63  }
0x1a9: {  	_ =	swait.ge [sflag:s13], $0x4000  }
0x1aa: {  	[sflag:s13] =	ssyncset.done $0x0  }
0x1ab: {  	[sflag:s13] =	ssyncadd.s32 $0xFFFFC000  }
0x1ac: {  	[tilespmem:s12], [sflag:$0x1] =	stream.indirect.gather [hbm4b:s1+s15], $0x80, s23, s15, $0xb8;
	[tilespmem:$0x1D000] =	vst v63  }
0x1ad: {  	_ =	swait.ge [sflag:s18], $0x4000  }
0x1ae: {  	[sflag:s18] =	ssyncset.done $0x0  }
0x1af: {  	[sflag:s18] =	ssyncadd.s32 $0xFFFFC000  }
0x1b0: {  	[spmem:s3] =	stream.indirect.scatter.add.f32 [tilespmem:s16], [sflag:$0x3], $0x80, s24, s15, $0xb8;
	[tilespmem:$0x1D000] =	vst v63  }
0x1b1: {  	_ =	swait.ge [sflag:s13], $0x4000  }
0x1b2: {  	[sflag:s13] =	ssyncset.done $0x0  }
0x1b3: {  	[sflag:s13] =	ssyncadd.s32 $0xFFFFC000  }
0x1b4: {  	[tilespmem:s16], [sflag:$0x2] =	stream.indirect.gather [hbm4b:s1+s15], $0x80, s25, s15, $0xb8;
	[tilespmem:$0x1D000] =	vst v63  }
0x1b5: {  	_ =	swait.ge [sflag:s17], $0x4000  }
0x1b6: {  	[sflag:s17] =	ssyncset.done $0x0  }
0x1b7: {  	[sflag:s17] =	ssyncadd.s32 $0xFFFFC000  }
0x1b8: {  	[spmem:s3] =	stream.indirect.scatter.add.f32 [tilespmem:s12], [sflag:$0x3], $0x80, s26, s15, $0xb8;
	[tilespmem:$0x1D000] =	vst v63  }
0x1b9: {  	_ =	swait.ge [sflag:s13], $0x4000  }
0x1ba: {  	[sflag:s13] =	ssyncset.done $0x0  }
0x1bb: {  	[sflag:s13] =	ssyncadd.s32 $0xFFFFC000  }
0x1bc: {  	[tilespmem:s12], [sflag:$0x1] =	stream.indirect.gather [hbm4b:s1+s15], $0x80, s28, s15, $0xb8;
	[tilespmem:$0x1D000] =	vst v63  }
0x1bd: {  	_ =	swait.ge [sflag:s18], $0x4000  }
0x1be: {  	[sflag:s18] =	ssyncset.done $0x0  }
0x1bf: {  	[sflag:s18] =	ssyncadd.s32 $0xFFFFC000  }
0x1c0: {  	[spmem:s3] =	stream.indirect.scatter.add.f32 [tilespmem:s16], [sflag:$0x3], $0x80, s29, s15, $0xb8;
	[tilespmem:$0x1D000] =	vst v63  }
0x1c1: {  	_ =	swait.ge [sflag:s13], $0x4000  }
0x1c2: {  	[sflag:s13] =	ssyncset.done $0x0  }
0x1c3: {  	[sflag:s13] =	ssyncadd.s32 $0xFFFFC000  }
0x1c4: {  	[tilespmem:s16], [sflag:$0x2] =	stream.indirect.gather [hbm4b:s1+s15], $0x80, s30, s15, $0xb8;
	[tilespmem:$0x1D000] =	vst v63  }
0x1c5: {  	_ =	swait.ge [sflag:s17], $0x4000  }
0x1c6: {  	[sflag:s17] =	ssyncset.done $0x0  }
0x1c7: {  	[sflag:s17] =	ssyncadd.s32 $0xFFFFC000  }
0x1c8: {  	[spmem:s3] =	stream.indirect.scatter.add.f32 [tilespmem:s12], [sflag:$0x3], $0x80, s31, s15, $0xb8;
	[tilespmem:$0x1D000] =	vst v63  }
0x1c9: {  	_ =	swait.ge [sflag:s13], $0x4000  }
0x1ca: {  	[sflag:s13] =	ssyncset.done $0x0  }
0x1cb: {  	[sflag:s13] =	ssyncadd.s32 $0xFFFFC000  }
0x1cc: {  	[tilespmem:s12], [sflag:$0x1] =	stream.indirect.gather [hbm4b:s1+s15], $0x80, s2, s15, $0xb8;
	[tilespmem:$0x1D000] =	vst v63  }
0x1cd: {  	_ =	swait.ge [sflag:s18], $0x4000  }
0x1ce: {  	[sflag:s18] =	ssyncset.done $0x0  }
0x1cf: {  	[sflag:s18] =	ssyncadd.s32 $0xFFFFC000  }
0x1d0: {  	[spmem:s3] =	stream.indirect.scatter.add.f32 [tilespmem:s16], [sflag:$0x3], $0x80, s0, s15, $0xb8;
	[tilespmem:$0x1D000] =	vst v63  }
0x1d1: {  	_ =	swait.ge [sflag:s13], $0x4000  }
0x1d2: {  	[sflag:s13] =	ssyncset.done $0x0  }
0x1d3: {  	[sflag:s13] =	ssyncadd.s32 $0xFFFFC000  }
0x1d4: {  	[tilespmem:s16], [sflag:$0x2] =	stream.indirect.gather [hbm4b:s1+s15], $0x80, s6, s15, $0xb8;
	[tilespmem:$0x1D000] =	vst v63  }
0x1d5: {  	_ =	swait.ge [sflag:s17], $0x4000  }
0x1d6: {  	[sflag:s17] =	ssyncset.done $0x0  }
0x1d7: {  	[sflag:s17] =	ssyncadd.s32 $0xFFFFC000  }
0x1d8: {  	[spmem:s3] =	stream.indirect.scatter.add.f32 [tilespmem:s12], [sflag:$0x3], $0x80, s7, s15, $0xb8;
	[tilespmem:$0x1D000] =	vst v63  }
0x1d9: {  	_ =	swait.ge [sflag:s13], $0x4000  }
0x1da: {  	[sflag:s13] =	ssyncset.done $0x0  }
0x1db: {  	[sflag:s13] =	ssyncadd.s32 $0xFFFFC000  }
0x1dc: {  	_ =	swait.ge [sflag:s18], $0x4000  }
0x1dd: {  	[sflag:s18] =	ssyncset.done $0x0  }
0x1de: {  	[sflag:s18] =	ssyncadd.s32 $0xFFFFC000  }
0x1df: {  	[spmem:s3] =	stream.indirect.scatter.add.f32 [tilespmem:s16], [sflag:$0x3], $0x80, s8, s15, $0xb8;
	[tilespmem:$0x1D000] =	vst v63  }
0x1e0: {  	_ =	swait.ge [sflag:s13], $0x4000  }
0x1e1: {  	[sflag:s13] =	ssyncset.done $0x0  }
0x1e2: {  	[sflag:s13] =	ssyncadd.s32 $0xFFFFC000  }
0x1e3: {  	s10 =	stileid.u32;
	[bflag:$0x0] =	sbarrier.arrive $0xFFFF  }
0x1e4: {  	s5 =	sshll.u32 s10, $0x6;
	s9 =	rddreg [dreg:$0x12]  }
0x1e5: {  	s5 =	sor.u32 $0x1C03, s5;
	s11 =	rddreg [dreg:$0x17];
	s9 =	sshrl.u32 s9, $0x3  }
0x1e6: {  	[hbm:s11], [sflag:s5] =	dma.local [spmem:s9], $0x2800  }
0x1e7: {  	_ =	swait.ge [sflag:s13], $0x2800  }
0x1e8: {  	s10 =	rddreg [dreg:$0x19]  }
0x1e9: {  	s11 =	rddreg [dreg:$0x18];
	s9 =	sadd.s32 $0x1, s10  }
0x1ea: {  	p0 =	sne.s32 s9, s11  }
.Ltmp2:
0x1eb: {  	_ = 	snop;
	(pc) =	sbr.rel @p0 .LBB2_1-.Ltmp2, $3  }
0x1ec: {  	_ =	sdelay $0x1  }
0x1ed: {  	[sflag:s13] =	ssyncset.done $0x0  }
0x1ee: {  	[sflag:s13] =	ssyncadd.s32 $0xFFFFD800  }
0x1ef: {  	_ =	sfence.sel $0x180000  }
0x1f0: {  	[bflag:$0x0] =	sbarrier.arrive $0xFFFF  }
0x1f1: {  	_ =	strace $0x9000004A  }
0x1f2: {  	s0 =	stileid.u32;
	[bflag:$0x2] =	sbarrier.arrive $0xFFFF  }
0x1f3: {  	p0 =	sne.s32 s0, $0x0;
	s0 =	rddreg [dreg:$0x3]  }
0x1f4: {  	s0 =	sadd.s32 @!p0 $0x100000, s0  }
0x1f5: {  	[sflag:s0] =	ssyncadd.tile.s32 @!p0 $0x1;
	_ =	shalt  }
.Lfunc_end2:
_tile_overlayer_lowered:
.L_overlay_start_2:
0x1f6: {  	(tag) =	ssettag $0x2  }
0x1f7: {  	s0 =	rddreg [dreg:$0x0];
	s2 =	stileid.u32  }
0x1f8: {  	s1 =	rddreg [dreg:$0x1];
	p0 =	sne.s32 s2, $0x0  }
0x1f9: {  	s3 =	rddreg [dreg:$0x2];
	[bflag:$0x3] =	sbarrier.arrive $0xFFFF;
	s2 =	simm.s32 @!p0 $0x1C03  }
0x1fa: {  	[timem:s3], [sflag:s2] =	dma.local @!p0 [hbm:s0], s1  }
0x1fb: {  	s0 =	simm.s32 @!p0 $0x3  }
0x1fc: {  	_ =	swait.ge @!p0 [sflag:s0], s1  }
0x1fd: {  	s1 =	ssub.s32 @!p0 $0x0, s1;
	[sflag:s0] =	ssyncset.done @!p0 $0x0  }
0x1fe: {  	[sflag:s0] =	ssyncadd.s32 @!p0 s1  }
0x1ff: {  	[bflag:$0x3] =	sbarrier.arrive $0xFFFF  }
0x200: {  	_ =	shalt  }

</sc_bundles>
